<compile_context>
chip_gen: v7x
topology: tpu7x:2x2x1
jax: 0.10.2.dev20260603
libtpu: 0.0.44.dev20260713+nightly
codegen_flags: <defaults>
</compile_context>

<pallas_src>
import jax
import jax.numpy as jnp
from jax import lax
from jax.experimental import pallas as pl
from jax.experimental.pallas import tpu as pltpu
from jax.experimental.pallas import tpu_sc as plsc

NC = 2
NS = 16
NW = NC * NS

N = 10000
NP = 10240
E = 320000
D = 128
H = 32

EPW = E // NW
C = 125
K = EPW // C
KH = K // 2
G = 8
RPT = NP // NS

_sc_mesh = plsc.VectorSubcoreMesh(core_axis_name="c", subcore_axis_name="s",
                                  num_cores=NC, num_subcores=NS)


def _make_sc_segsum(width, gather):
    wsuf = (width,) if width > 1 else ()

    def body(*refs):
        if gather:
            (tab_hbm, src_hbm, dst_hbm, zeros_hbm, psum_hbm,
             src_v, dst_v, buf0, buf1, acc_shared, gsem0, gsem1) = refs
        else:
            (ones_hbm, dst_hbm, zeros_hbm, psum_hbm,
             dst_v, rows_v, acc_shared, csem) = refs
        c = lax.axis_index("c")
        s = lax.axis_index("s")
        wid = c * NS + s

        if gather:
            pltpu.sync_copy(src_hbm.at[wid], src_v)
        else:
            pltpu.sync_copy(ones_hbm, rows_v)
        pltpu.sync_copy(dst_hbm.at[wid], dst_v)

        row0 = s * RPT
        pltpu.sync_copy(zeros_hbm.at[pl.ds(row0, RPT)],
                        acc_shared.at[pl.ds(row0, RPT)])
        plsc.subcore_barrier()

        if gather:
            pltpu.async_copy(tab_hbm.at[src_v.at[0]], buf0, gsem0)

            def pair(jj, _):
                j0 = 2 * jj
                j1 = j0 + 1
                pltpu.async_copy(tab_hbm.at[src_v.at[j1]], buf1, gsem1)
                pltpu.make_async_copy(tab_hbm.at[src_v.at[j0]],
                                      buf0, gsem0).wait()
                pltpu.sync_copy(buf0, acc_shared.at[dst_v.at[j0]], add=True)

                @pl.when(jj + 1 < KH)
                def _():
                    pltpu.async_copy(tab_hbm.at[src_v.at[j0 + 2]],
                                     buf0, gsem0)

                pltpu.make_async_copy(tab_hbm.at[src_v.at[j1]],
                                      buf1, gsem1).wait()
                pltpu.sync_copy(buf1, acc_shared.at[dst_v.at[j1]], add=True)
                return 0

            lax.fori_loop(0, KH, pair, 0)
        else:
            def grp(g, _):
                for t in range(G):
                    pltpu.async_copy(rows_v,
                                     acc_shared.at[dst_v.at[g * G + t]],
                                     csem, add=True)
                for t in range(G):
                    pltpu.make_async_copy(
                        rows_v, acc_shared.at[dst_v.at[g * G + t]],
                        csem).wait()
                return 0

            lax.fori_loop(0, K // G, grp, 0)

        plsc.subcore_barrier()

        pltpu.sync_copy(acc_shared.at[pl.ds(row0, RPT)],
                        psum_hbm.at[c, pl.ds(row0, RPT)])

    if gather:
        scratch = [
            pltpu.VMEM((K, C), jnp.int32),
            pltpu.VMEM((K, C), jnp.int32),
            pltpu.VMEM((C,) + wsuf, jnp.float32),
            pltpu.VMEM((C,) + wsuf, jnp.float32),
            pltpu.VMEM_SHARED((NP,) + wsuf, jnp.float32),
            pltpu.SemaphoreType.DMA,
            pltpu.SemaphoreType.DMA,
        ]
    else:
        scratch = [
            pltpu.VMEM((K, C), jnp.int32),
            pltpu.VMEM((C,) + wsuf, jnp.float32),
            pltpu.VMEM_SHARED((NP,) + wsuf, jnp.float32),
            pltpu.SemaphoreType.DMA,
        ]

    return pl.kernel(
        body,
        out_type=jax.ShapeDtypeStruct((NC, NP) + wsuf, jnp.float32),
        mesh=_sc_mesh,
        scratch_types=scratch,
        compiler_params=pltpu.CompilerParams(use_tc_tiling_on_sc=False),
    )


_sc_counts = _make_sc_segsum(1, gather=False)
_sc_layer1 = _make_sc_segsum(H, gather=True)
_sc_layer2 = _make_sc_segsum(1, gather=True)

_R = 1024


def _tc_proj_kernel(x_ref, wcat_ref, y1_ref, z1_ref):
    out = jnp.dot(x_ref[...], wcat_ref[...],
                  preferred_element_type=jnp.float32)
    y1_ref[...] = out[:, :H]
    z1_ref[...] = out[:, H:]


def _tc_proj(x, wcat):
    return pl.pallas_call(
        _tc_proj_kernel,
        grid=(NP // _R,),
        in_specs=[pl.BlockSpec((_R, D), lambda i: (i, 0)),
                  pl.BlockSpec((D, 2 * H), lambda i: (0, 0))],
        out_specs=[pl.BlockSpec((_R, H), lambda i: (i, 0)),
                   pl.BlockSpec((_R, H), lambda i: (i, 0))],
        out_shape=[jax.ShapeDtypeStruct((NP, H), jnp.float32),
                   jax.ShapeDtypeStruct((NP, H), jnp.float32)],
    )(x, wcat)


def _tc_layer1_post_kernel(pa_ref, pb_ref, ca_ref, cb_ref, z1_ref, b1_ref,
                           w2_ref, y2_ref, z2_ref, cnt_ref):
    cnt = jnp.maximum(ca_ref[...] + cb_ref[...], 1.0)
    mean = (pa_ref[...] + pb_ref[...]) / cnt
    h = jnp.maximum(mean + b1_ref[...] + z1_ref[...], 0.0)
    yz = jnp.dot(h, w2_ref[...], preferred_element_type=jnp.float32)
    y2_ref[...] = yz[:, 0:1]
    z2_ref[...] = yz[:, 1:2]
    cnt_ref[...] = cnt


def _tc_layer1_post(pa, pb, ca, cb, z1, b1, w2):
    return pl.pallas_call(
        _tc_layer1_post_kernel,
        grid=(NP // _R,),
        in_specs=[pl.BlockSpec((_R, H), lambda i: (i, 0)),
                  pl.BlockSpec((_R, H), lambda i: (i, 0)),
                  pl.BlockSpec((_R, 1), lambda i: (i, 0)),
                  pl.BlockSpec((_R, 1), lambda i: (i, 0)),
                  pl.BlockSpec((_R, H), lambda i: (i, 0)),
                  pl.BlockSpec((1, H), lambda i: (0, 0)),
                  pl.BlockSpec((H, 2), lambda i: (0, 0))],
        out_specs=[pl.BlockSpec((_R, 1), lambda i: (i, 0)),
                   pl.BlockSpec((_R, 1), lambda i: (i, 0)),
                   pl.BlockSpec((_R, 1), lambda i: (i, 0))],
        out_shape=[jax.ShapeDtypeStruct((NP, 1), jnp.float32),
                   jax.ShapeDtypeStruct((NP, 1), jnp.float32),
                   jax.ShapeDtypeStruct((NP, 1), jnp.float32)],
    )(pa, pb, ca, cb, z1, b1, w2)


def _tc_final_kernel(qa_ref, qb_ref, cnt_ref, z2_ref, b2_ref, out_ref):
    s = qa_ref[...] + qb_ref[...]
    out_ref[...] = s / cnt_ref[...] + b2_ref[...] + z2_ref[...]


def _tc_final(qa, qb, cnt, z2, b2):
    return pl.pallas_call(
        _tc_final_kernel,
        grid=(NP // _R,),
        in_specs=[pl.BlockSpec((_R, 1), lambda i: (i, 0)),
                  pl.BlockSpec((_R, 1), lambda i: (i, 0)),
                  pl.BlockSpec((_R, 1), lambda i: (i, 0)),
                  pl.BlockSpec((_R, 1), lambda i: (i, 0)),
                  pl.BlockSpec((1, 1), lambda i: (0, 0))],
        out_specs=pl.BlockSpec((_R, 1), lambda i: (i, 0)),
        out_shape=jax.ShapeDtypeStruct((NP, 1), jnp.float32),
    )(qa, qb, cnt, z2, b2)


def kernel(x, edge_index, W1l, b1, W1r, W2l, b2, W2r):
    src = edge_index[0].astype(jnp.int32).reshape(NW, K, C)
    dst = edge_index[1].astype(jnp.int32).reshape(NW, K, C)

    zeros1 = jnp.zeros((NP,), jnp.float32)
    zeros32 = jnp.zeros((NP, H), jnp.float32)
    ones_c = jnp.ones((C,), jnp.float32)

    cnts = _sc_counts(ones_c, dst, zeros1)
    wcat = jnp.concatenate([W1l.T, W1r.T], axis=1)
    y1, z1 = _tc_proj(x, wcat)

    psum = _sc_layer1(y1, src, dst, zeros32)

    w2 = jnp.stack([W2l[0], W2r[0]], axis=1)
    y2, z2, cnt = _tc_layer1_post(psum[0], psum[1],
                                  cnts[0].reshape(NP, 1),
                                  cnts[1].reshape(NP, 1),
                                  z1, b1.reshape(1, H), w2)

    q = _sc_layer2(y2.reshape(NP), src, dst, zeros1)

    out = _tc_final(q[0].reshape(NP, 1), q[1].reshape(NP, 1),
                    cnt, z2, b2.reshape(1, 1))
    return out[:N]

# --- scband reference (transcript-rebuilt; emitter-appended) ---
"""Pipeline reference for scband-graph-sage-16295105921228 (READ-ONLY COPY).

The authoritative reference and input builder live on the scoring server;
editing this copy changes nothing except your own understanding.
"""

import jax, jax.numpy as jnp
import numpy as np


def _sage_conv(x, edge_index, Wl, bl, Wr):
    # PyG SAGEConv (aggr='mean'): out = lin_l(mean_{j in N(i)} x_j) + lin_r(x_i)
    src = edge_index[0]
    dst = edge_index[1]
    N = x.shape[0]
    msgs = x[src]
    sums = jax.ops.segment_sum(msgs, dst, num_segments=N)
    cnt = jax.ops.segment_sum(jnp.ones((msgs.shape[0], 1), dtype=x.dtype), dst, num_segments=N)
    mean = sums / jnp.maximum(cnt, 1.0)
    return mean @ Wl.T + bl + x @ Wr.T


def setup_inputs(seed: int = 0) -> dict:
    key = jax.random.key(seed)
    k1, k2, k3, k4, k5, k6, k7 = jax.random.split(key, 7)
    N, E, D, H = 10000, 320000, 128, 32
    x = jax.random.normal(k1, (N, D), dtype=jnp.float32)
    edge_index = jax.random.randint(k2, (2, E), 0, N, dtype=jnp.int64)
    s1 = 1.0 / np.sqrt(D)
    s2 = 1.0 / np.sqrt(H)
    W1l = jax.random.uniform(k3, (H, D), jnp.float32, -s1, s1)
    b1 = jax.random.uniform(k4, (H,), jnp.float32, -s1, s1)
    W1r = jax.random.uniform(k5, (H, D), jnp.float32, -s1, s1)
    W2l = jax.random.uniform(k6, (1, H), jnp.float32, -s2, s2)
    b2 = jnp.zeros((1,), jnp.float32)
    W2r = jax.random.uniform(k7, (1, H), jnp.float32, -s2, s2)
    return {"x": x, "edge_index": edge_index, "W1l": W1l, "b1": b1, "W1r": W1r, "W2l": W2l, "b2": b2, "W2r": W2r}


def reference(x, edge_index, W1l, b1, W1r, W2l, b2, W2r):
    h = _sage_conv(x, edge_index, W1l, b1, W1r)
    h = jax.nn.relu(h)
    out = _sage_conv(h, edge_index, W2l, b2, W2r)
    return out

if __name__ == "__main__":
    import jax
    _d = setup_inputs()
    print(jax.jit(kernel)(*tuple(_d.values())))

</pallas_src>

<mosaic_0001>
#map = affine_map<(d0, d1) -> (0, 0)>
#map1 = affine_map<(d0, d1) -> (0, 0, 0)>
module attributes {stable_mosaic.version = 14 : i64} {
  func.func @body(%arg0: i32, %arg1: i32, %arg2: memref<10240x32xf32, #tpu.memory_space<hbm>>, %arg3: memref<32x80x125xi32, #tpu.memory_space<hbm>>, %arg4: memref<32x80x125xi32, #tpu.memory_space<hbm>>, %arg5: memref<10240x32xf32, #tpu.memory_space<hbm>>, %arg6: memref<2x10240x32xf32, #tpu.memory_space<hbm>>, %arg7: memref<80x125xi32, #tpu.memory_space<vmem>>, %arg8: memref<80x125xi32, #tpu.memory_space<vmem>>, %arg9: memref<125x32xf32, #tpu.memory_space<vmem>>, %arg10: memref<125x32xf32, #tpu.memory_space<vmem>>, %arg11: memref<10240x32xf32, #tpu.memory_space<vmem_shared>>, %arg12: memref<!tpu.dma_semaphore, #tpu.memory_space<semaphore_mem>>, %arg13: memref<!tpu.dma_semaphore, #tpu.memory_space<semaphore_mem>>) attributes {dimension_semantics = [#tpu.dimension_semantics<core_parallel>, #tpu.dimension_semantics<subcore_parallel>], iteration_bounds = array<i64: 2, 16>, scalar_prefetch = 0 : i64, scratch_operands = 7 : i64, tpu.core_type = #tpu.core_type<sc_vector_subcore>, window_params = [{transform_indices = #map}, {transform_indices = #map1}, {transform_indices = #map1}, {transform_indices = #map}, {transform_indices = #map1}]} {
    %mul3A = arith.constant 16 : i32
    %mul3A_0 = arith.muli %arg0, %mul3A : i32
    %add3A = arith.addi %mul3A_0, %arg1 : i32
    "tpu.region"() ({
      %run_scoped3A = tpu.sem_alloc : memref<!tpu.dma_semaphore, #tpu.memory_space<semaphore_mem>>
      %dma_start3A_16 = arith.constant 0 : i32
      %dma_start3A_17 = arith.constant 0 : i32
      %dma_start3A_18 = tpu.memref_slice %arg3[%add3A, %dma_start3A_16, %dma_start3A_17] : memref<32x80x125xi32, #tpu.memory_space<hbm>> -> memref<1x80x125xi32, #tpu.memory_space<hbm>>
      %dma_start3A_19 = tpu.memref_squeeze %dma_start3A_18 : memref<1x80x125xi32, #tpu.memory_space<hbm>> -> memref<80x125xi32, #tpu.memory_space<hbm>>
      %dma_start3A_20 = arith.constant 0 : i32
      %dma_start3A_21 = arith.constant 0 : i32
      %dma_start3A_22 = tpu.memref_slice %arg3[%add3A, %dma_start3A_20, %dma_start3A_21] : memref<32x80x125xi32, #tpu.memory_space<hbm>> -> memref<1x80x125xi32, #tpu.memory_space<hbm>>
      %dma_start3A_23 = tpu.memref_squeeze %dma_start3A_22 : memref<1x80x125xi32, #tpu.memory_space<hbm>> -> memref<80x125xi32, #tpu.memory_space<hbm>>
      tpu.enqueue_dma source(%dma_start3A_23 : memref<80x125xi32, #tpu.memory_space<hbm>>) target(%arg7 : memref<80x125xi32, #tpu.memory_space<vmem>>) target_semaphore(%run_scoped3A : memref<!tpu.dma_semaphore, #tpu.memory_space<semaphore_mem>>)
      %dma_wait3A = arith.constant 0 : i32
      %dma_wait3A_24 = arith.constant 0 : i32
      %dma_wait3A_25 = tpu.memref_slice %arg3[%add3A, %dma_wait3A, %dma_wait3A_24] : memref<32x80x125xi32, #tpu.memory_space<hbm>> -> memref<1x80x125xi32, #tpu.memory_space<hbm>>
      %dma_wait3A_26 = tpu.memref_squeeze %dma_wait3A_25 : memref<1x80x125xi32, #tpu.memory_space<hbm>> -> memref<80x125xi32, #tpu.memory_space<hbm>>
      %dma_wait3A_27 = arith.constant 0 : i32
      %dma_wait3A_28 = arith.constant 0 : i32
      %dma_wait3A_29 = tpu.memref_slice %arg3[%add3A, %dma_wait3A_27, %dma_wait3A_28] : memref<32x80x125xi32, #tpu.memory_space<hbm>> -> memref<1x80x125xi32, #tpu.memory_space<hbm>>
      %dma_wait3A_30 = tpu.memref_squeeze %dma_wait3A_29 : memref<1x80x125xi32, #tpu.memory_space<hbm>> -> memref<80x125xi32, #tpu.memory_space<hbm>>
      tpu.wait_dma2 semaphore(%run_scoped3A : memref<!tpu.dma_semaphore, #tpu.memory_space<semaphore_mem>>) src(%dma_wait3A_30 : memref<80x125xi32, #tpu.memory_space<hbm>>) dst(%arg7 : memref<80x125xi32, #tpu.memory_space<vmem>>)
      tpu.yield
    }) : () -> ()
    "tpu.region"() ({
      %run_scoped3A = tpu.sem_alloc : memref<!tpu.dma_semaphore, #tpu.memory_space<semaphore_mem>>
      %dma_start3A_16 = arith.constant 0 : i32
      %dma_start3A_17 = arith.constant 0 : i32
      %dma_start3A_18 = tpu.memref_slice %arg4[%add3A, %dma_start3A_16, %dma_start3A_17] : memref<32x80x125xi32, #tpu.memory_space<hbm>> -> memref<1x80x125xi32, #tpu.memory_space<hbm>>
      %dma_start3A_19 = tpu.memref_squeeze %dma_start3A_18 : memref<1x80x125xi32, #tpu.memory_space<hbm>> -> memref<80x125xi32, #tpu.memory_space<hbm>>
      %dma_start3A_20 = arith.constant 0 : i32
      %dma_start3A_21 = arith.constant 0 : i32
      %dma_start3A_22 = tpu.memref_slice %arg4[%add3A, %dma_start3A_20, %dma_start3A_21] : memref<32x80x125xi32, #tpu.memory_space<hbm>> -> memref<1x80x125xi32, #tpu.memory_space<hbm>>
      %dma_start3A_23 = tpu.memref_squeeze %dma_start3A_22 : memref<1x80x125xi32, #tpu.memory_space<hbm>> -> memref<80x125xi32, #tpu.memory_space<hbm>>
      tpu.enqueue_dma source(%dma_start3A_23 : memref<80x125xi32, #tpu.memory_space<hbm>>) target(%arg8 : memref<80x125xi32, #tpu.memory_space<vmem>>) target_semaphore(%run_scoped3A : memref<!tpu.dma_semaphore, #tpu.memory_space<semaphore_mem>>)
      %dma_wait3A = arith.constant 0 : i32
      %dma_wait3A_24 = arith.constant 0 : i32
      %dma_wait3A_25 = tpu.memref_slice %arg4[%add3A, %dma_wait3A, %dma_wait3A_24] : memref<32x80x125xi32, #tpu.memory_space<hbm>> -> memref<1x80x125xi32, #tpu.memory_space<hbm>>
      %dma_wait3A_26 = tpu.memref_squeeze %dma_wait3A_25 : memref<1x80x125xi32, #tpu.memory_space<hbm>> -> memref<80x125xi32, #tpu.memory_space<hbm>>
      %dma_wait3A_27 = arith.constant 0 : i32
      %dma_wait3A_28 = arith.constant 0 : i32
      %dma_wait3A_29 = tpu.memref_slice %arg4[%add3A, %dma_wait3A_27, %dma_wait3A_28] : memref<32x80x125xi32, #tpu.memory_space<hbm>> -> memref<1x80x125xi32, #tpu.memory_space<hbm>>
      %dma_wait3A_30 = tpu.memref_squeeze %dma_wait3A_29 : memref<1x80x125xi32, #tpu.memory_space<hbm>> -> memref<80x125xi32, #tpu.memory_space<hbm>>
      tpu.wait_dma2 semaphore(%run_scoped3A : memref<!tpu.dma_semaphore, #tpu.memory_space<semaphore_mem>>) src(%dma_wait3A_30 : memref<80x125xi32, #tpu.memory_space<hbm>>) dst(%arg8 : memref<80x125xi32, #tpu.memory_space<vmem>>)
      tpu.yield
    }) : () -> ()
    %mul3A_1 = arith.constant 640 : i32
    %mul3A_2 = arith.muli %arg1, %mul3A_1 : i32
    "tpu.region"() ({
      %run_scoped3A = tpu.sem_alloc : memref<!tpu.dma_semaphore, #tpu.memory_space<semaphore_mem>>
      %dma_start3A_16 = arith.constant 0 : i32
      %dma_start3A_17 = tpu.memref_slice %arg11[%mul3A_2, %dma_start3A_16] : memref<10240x32xf32, #tpu.memory_space<vmem_shared>> -> memref<640x32xf32, #tpu.memory_space<vmem_shared>>
      %dma_start3A_18 = arith.constant 0 : i32
      %dma_start3A_19 = tpu.memref_slice %arg5[%mul3A_2, %dma_start3A_18] : memref<10240x32xf32, #tpu.memory_space<hbm>> -> memref<640x32xf32, #tpu.memory_space<hbm>>
      tpu.enqueue_dma source(%dma_start3A_19 : memref<640x32xf32, #tpu.memory_space<hbm>>) target(%dma_start3A_17 : memref<640x32xf32, #tpu.memory_space<vmem_shared>>) target_semaphore(%run_scoped3A : memref<!tpu.dma_semaphore, #tpu.memory_space<semaphore_mem>>)
      %dma_wait3A = arith.constant 0 : i32
      %dma_wait3A_20 = tpu.memref_slice %arg11[%mul3A_2, %dma_wait3A] : memref<10240x32xf32, #tpu.memory_space<vmem_shared>> -> memref<640x32xf32, #tpu.memory_space<vmem_shared>>
      %dma_wait3A_21 = arith.constant 0 : i32
      %dma_wait3A_22 = tpu.memref_slice %arg5[%mul3A_2, %dma_wait3A_21] : memref<10240x32xf32, #tpu.memory_space<hbm>> -> memref<640x32xf32, #tpu.memory_space<hbm>>
      tpu.wait_dma2 semaphore(%run_scoped3A : memref<!tpu.dma_semaphore, #tpu.memory_space<semaphore_mem>>) src(%dma_wait3A_22 : memref<640x32xf32, #tpu.memory_space<hbm>>) dst(%dma_wait3A_20 : memref<640x32xf32, #tpu.memory_space<vmem_shared>>)
      tpu.yield
    }) : () -> ()
    %barrier3A = arith.constant 0 : index
    tpu.barrier barrier_id(%barrier3A)
    %dma_start3A = arith.constant 0 : i32
    %dma_start3A_3 = arith.constant 0 : i32
    %dma_start3A_4 = tpu.memref_slice %arg7[%dma_start3A, %dma_start3A_3] : memref<80x125xi32, #tpu.memory_space<vmem>> -> memref<1x125xi32, #tpu.memory_space<vmem>>
    %dma_start3A_5 = tpu.memref_squeeze %dma_start3A_4 : memref<1x125xi32, #tpu.memory_space<vmem>> -> memref<125xi32, #tpu.memory_space<vmem>>
    %dma_start3A_6 = arith.constant 0 : i32
    %dma_start3A_7 = arith.constant 0 : i32
    %dma_start3A_8 = tpu.memref_slice %arg2[%dma_start3A_6, %dma_start3A_7] : memref<10240x32xf32, #tpu.memory_space<hbm>> -> memref<10240x32xf32, #tpu.memory_space<hbm>>
    tpu.enqueue_indirect_dma source(%dma_start3A_8 : memref<10240x32xf32, #tpu.memory_space<hbm>>) target(%arg9 : memref<125x32xf32, #tpu.memory_space<vmem>>) offsets(%dma_start3A_5 : memref<125xi32, #tpu.memory_space<vmem>>) semaphore(%arg12 : memref<!tpu.dma_semaphore, #tpu.memory_space<semaphore_mem>>)
    %scan3A = arith.constant 0 : i32
    %scan3A_9 = arith.constant 0 : i32
    %scan3A_10 = arith.constant 40 : i32
    %scan3A_11 = arith.addi %scan3A_9, %scan3A_10 : i32
    %scan3A_12 = arith.constant 1 : i32
    %scan3A_13 = scf.for %scan3A_16 = %scan3A_9 to %scan3A_11 step %scan3A_12 iter_args(%scan3A_17 = %scan3A) -> (i32)  : i32 {
      %mul3A_18 = arith.constant 2 : i32
      %mul3A_19 = arith.muli %mul3A_18, %scan3A_16 : i32
      %add3A_20 = arith.constant 1 : i32
      %add3A_21 = arith.addi %mul3A_19, %add3A_20 : i32
      %dma_start3A_22 = arith.constant 0 : i32
      %dma_start3A_23 = tpu.memref_slice %arg7[%add3A_21, %dma_start3A_22] : memref<80x125xi32, #tpu.memory_space<vmem>> -> memref<1x125xi32, #tpu.memory_space<vmem>>
      %dma_start3A_24 = tpu.memref_squeeze %dma_start3A_23 : memref<1x125xi32, #tpu.memory_space<vmem>> -> memref<125xi32, #tpu.memory_space<vmem>>
      %dma_start3A_25 = arith.constant 0 : i32
      %dma_start3A_26 = arith.constant 0 : i32
      %dma_start3A_27 = tpu.memref_slice %arg2[%dma_start3A_25, %dma_start3A_26] : memref<10240x32xf32, #tpu.memory_space<hbm>> -> memref<10240x32xf32, #tpu.memory_space<hbm>>
      tpu.enqueue_indirect_dma source(%dma_start3A_27 : memref<10240x32xf32, #tpu.memory_space<hbm>>) target(%arg10 : memref<125x32xf32, #tpu.memory_space<vmem>>) offsets(%dma_start3A_24 : memref<125xi32, #tpu.memory_space<vmem>>) semaphore(%arg13 : memref<!tpu.dma_semaphore, #tpu.memory_space<semaphore_mem>>)
      %dma_wait3A = arith.constant 0 : i32
      %dma_wait3A_28 = tpu.memref_slice %arg7[%mul3A_19, %dma_wait3A] : memref<80x125xi32, #tpu.memory_space<vmem>> -> memref<1x125xi32, #tpu.memory_space<vmem>>
      %dma_wait3A_29 = tpu.memref_squeeze %dma_wait3A_28 : memref<1x125xi32, #tpu.memory_space<vmem>> -> memref<125xi32, #tpu.memory_space<vmem>>
      %dma_wait3A_30 = arith.constant 0 : i32
      %dma_wait3A_31 = arith.constant 0 : i32
      %dma_wait3A_32 = tpu.memref_slice %arg2[%dma_wait3A_30, %dma_wait3A_31] : memref<10240x32xf32, #tpu.memory_space<hbm>> -> memref<10240x32xf32, #tpu.memory_space<hbm>>
      tpu.wait_indirect_dma semaphore(%arg12 : memref<!tpu.dma_semaphore, #tpu.memory_space<semaphore_mem>>) src(%dma_wait3A_32 : memref<10240x32xf32, #tpu.memory_space<hbm>>) dst(%arg9 : memref<125x32xf32, #tpu.memory_space<vmem>>)
      "tpu.region"() ({
        %run_scoped3A = tpu.sem_alloc : memref<!tpu.dma_semaphore, #tpu.memory_space<semaphore_mem>>
        %dma_start3A_44 = arith.constant 0 : i32
        %dma_start3A_45 = tpu.memref_slice %arg8[%mul3A_19, %dma_start3A_44] : memref<80x125xi32, #tpu.memory_space<vmem>> -> memref<1x125xi32, #tpu.memory_space<vmem>>
        %dma_start3A_46 = tpu.memref_squeeze %dma_start3A_45 : memref<1x125xi32, #tpu.memory_space<vmem>> -> memref<125xi32, #tpu.memory_space<vmem>>
        %dma_start3A_47 = arith.constant 0 : i32
        %dma_start3A_48 = arith.constant 0 : i32
        %dma_start3A_49 = tpu.memref_slice %arg11[%dma_start3A_47, %dma_start3A_48] : memref<10240x32xf32, #tpu.memory_space<vmem_shared>> -> memref<10240x32xf32, #tpu.memory_space<vmem_shared>>
        tpu.enqueue_indirect_dma source(%arg9 : memref<125x32xf32, #tpu.memory_space<vmem>>) target(%dma_start3A_49 : memref<10240x32xf32, #tpu.memory_space<vmem_shared>>) offsets(%dma_start3A_46 : memref<125xi32, #tpu.memory_space<vmem>>) semaphore(%run_scoped3A : memref<!tpu.dma_semaphore, #tpu.memory_space<semaphore_mem>>) {add = true}
        %dma_wait3A_50 = arith.constant 0 : i32
        %dma_wait3A_51 = tpu.memref_slice %arg8[%mul3A_19, %dma_wait3A_50] : memref<80x125xi32, #tpu.memory_space<vmem>> -> memref<1x125xi32, #tpu.memory_space<vmem>>
        %dma_wait3A_52 = tpu.memref_squeeze %dma_wait3A_51 : memref<1x125xi32, #tpu.memory_space<vmem>> -> memref<125xi32, #tpu.memory_space<vmem>>
        %dma_wait3A_53 = arith.constant 0 : i32
        %dma_wait3A_54 = arith.constant 0 : i32
        %dma_wait3A_55 = tpu.memref_slice %arg11[%dma_wait3A_53, %dma_wait3A_54] : memref<10240x32xf32, #tpu.memory_space<vmem_shared>> -> memref<10240x32xf32, #tpu.memory_space<vmem_shared>>
        tpu.wait_indirect_dma semaphore(%run_scoped3A : memref<!tpu.dma_semaphore, #tpu.memory_space<semaphore_mem>>) src(%arg9 : memref<125x32xf32, #tpu.memory_space<vmem>>) dst(%dma_wait3A_55 : memref<10240x32xf32, #tpu.memory_space<vmem_shared>>)
        tpu.yield
      }) : () -> ()
      %add3A_33 = arith.constant 1 : i32
      %add3A_34 = arith.addi %scan3A_16, %add3A_33 : i32
      %lt3A = arith.constant 40 : i32
      %lt3A_35 = arith.cmpi slt, %add3A_34, %lt3A : i32
      %convert_element_type3A = arith.extui %lt3A_35 : i1 to i32
      %cond3A = arith.constant 0 : i32
      %cond3A_36 = arith.cmpi ne, %convert_element_type3A, %cond3A : i32
      scf.if %cond3A_36 {
        %add3A_44 = arith.constant 2 : i32
        %add3A_45 = arith.addi %mul3A_19, %add3A_44 : i32
        %dma_start3A_46 = arith.constant 0 : i32
        %dma_start3A_47 = tpu.memref_slice %arg7[%add3A_45, %dma_start3A_46] : memref<80x125xi32, #tpu.memory_space<vmem>> -> memref<1x125xi32, #tpu.memory_space<vmem>>
        %dma_start3A_48 = tpu.memref_squeeze %dma_start3A_47 : memref<1x125xi32, #tpu.memory_space<vmem>> -> memref<125xi32, #tpu.memory_space<vmem>>
        %dma_start3A_49 = arith.constant 0 : i32
        %dma_start3A_50 = arith.constant 0 : i32
        %dma_start3A_51 = tpu.memref_slice %arg2[%dma_start3A_49, %dma_start3A_50] : memref<10240x32xf32, #tpu.memory_space<hbm>> -> memref<10240x32xf32, #tpu.memory_space<hbm>>
        tpu.enqueue_indirect_dma source(%dma_start3A_51 : memref<10240x32xf32, #tpu.memory_space<hbm>>) target(%arg9 : memref<125x32xf32, #tpu.memory_space<vmem>>) offsets(%dma_start3A_48 : memref<125xi32, #tpu.memory_space<vmem>>) semaphore(%arg12 : memref<!tpu.dma_semaphore, #tpu.memory_space<semaphore_mem>>)
      } else {
      }
      %dma_wait3A_37 = arith.constant 0 : i32
      %dma_wait3A_38 = tpu.memref_slice %arg7[%add3A_21, %dma_wait3A_37] : memref<80x125xi32, #tpu.memory_space<vmem>> -> memref<1x125xi32, #tpu.memory_space<vmem>>
      %dma_wait3A_39 = tpu.memref_squeeze %dma_wait3A_38 : memref<1x125xi32, #tpu.memory_space<vmem>> -> memref<125xi32, #tpu.memory_space<vmem>>
      %dma_wait3A_40 = arith.constant 0 : i32
      %dma_wait3A_41 = arith.constant 0 : i32
      %dma_wait3A_42 = tpu.memref_slice %arg2[%dma_wait3A_40, %dma_wait3A_41] : memref<10240x32xf32, #tpu.memory_space<hbm>> -> memref<10240x32xf32, #tpu.memory_space<hbm>>
      tpu.wait_indirect_dma semaphore(%arg13 : memref<!tpu.dma_semaphore, #tpu.memory_space<semaphore_mem>>) src(%dma_wait3A_42 : memref<10240x32xf32, #tpu.memory_space<hbm>>) dst(%arg10 : memref<125x32xf32, #tpu.memory_space<vmem>>)
      "tpu.region"() ({
        %run_scoped3A = tpu.sem_alloc : memref<!tpu.dma_semaphore, #tpu.memory_space<semaphore_mem>>
        %dma_start3A_44 = arith.constant 0 : i32
        %dma_start3A_45 = tpu.memref_slice %arg8[%add3A_21, %dma_start3A_44] : memref<80x125xi32, #tpu.memory_space<vmem>> -> memref<1x125xi32, #tpu.memory_space<vmem>>
        %dma_start3A_46 = tpu.memref_squeeze %dma_start3A_45 : memref<1x125xi32, #tpu.memory_space<vmem>> -> memref<125xi32, #tpu.memory_space<vmem>>
        %dma_start3A_47 = arith.constant 0 : i32
        %dma_start3A_48 = arith.constant 0 : i32
        %dma_start3A_49 = tpu.memref_slice %arg11[%dma_start3A_47, %dma_start3A_48] : memref<10240x32xf32, #tpu.memory_space<vmem_shared>> -> memref<10240x32xf32, #tpu.memory_space<vmem_shared>>
        tpu.enqueue_indirect_dma source(%arg10 : memref<125x32xf32, #tpu.memory_space<vmem>>) target(%dma_start3A_49 : memref<10240x32xf32, #tpu.memory_space<vmem_shared>>) offsets(%dma_start3A_46 : memref<125xi32, #tpu.memory_space<vmem>>) semaphore(%run_scoped3A : memref<!tpu.dma_semaphore, #tpu.memory_space<semaphore_mem>>) {add = true}
        %dma_wait3A_50 = arith.constant 0 : i32
        %dma_wait3A_51 = tpu.memref_slice %arg8[%add3A_21, %dma_wait3A_50] : memref<80x125xi32, #tpu.memory_space<vmem>> -> memref<1x125xi32, #tpu.memory_space<vmem>>
        %dma_wait3A_52 = tpu.memref_squeeze %dma_wait3A_51 : memref<1x125xi32, #tpu.memory_space<vmem>> -> memref<125xi32, #tpu.memory_space<vmem>>
        %dma_wait3A_53 = arith.constant 0 : i32
        %dma_wait3A_54 = arith.constant 0 : i32
        %dma_wait3A_55 = tpu.memref_slice %arg11[%dma_wait3A_53, %dma_wait3A_54] : memref<10240x32xf32, #tpu.memory_space<vmem_shared>> -> memref<10240x32xf32, #tpu.memory_space<vmem_shared>>
        tpu.wait_indirect_dma semaphore(%run_scoped3A : memref<!tpu.dma_semaphore, #tpu.memory_space<semaphore_mem>>) src(%arg10 : memref<125x32xf32, #tpu.memory_space<vmem>>) dst(%dma_wait3A_55 : memref<10240x32xf32, #tpu.memory_space<vmem_shared>>)
        tpu.yield
      }) : () -> ()
      %scan3A_43 = arith.constant 0 : i32
      scf.yield %scan3A_43 : i32
    }
    %scan3A_14 = arith.constant 40 : i32
    %barrier3A_15 = arith.constant 0 : index
    tpu.barrier barrier_id(%barrier3A_15)
    "tpu.region"() ({
      %run_scoped3A = tpu.sem_alloc : memref<!tpu.dma_semaphore, #tpu.memory_space<semaphore_mem>>
      %dma_start3A_16 = arith.constant 0 : i32
      %dma_start3A_17 = tpu.memref_slice %arg6[%arg0, %mul3A_2, %dma_start3A_16] : memref<2x10240x32xf32, #tpu.memory_space<hbm>> -> memref<1x640x32xf32, #tpu.memory_space<hbm>>
      %dma_start3A_18 = tpu.memref_squeeze %dma_start3A_17 : memref<1x640x32xf32, #tpu.memory_space<hbm>> -> memref<640x32xf32, #tpu.memory_space<hbm>>
      %dma_start3A_19 = arith.constant 0 : i32
      %dma_start3A_20 = tpu.memref_slice %arg11[%mul3A_2, %dma_start3A_19] : memref<10240x32xf32, #tpu.memory_space<vmem_shared>> -> memref<640x32xf32, #tpu.memory_space<vmem_shared>>
      tpu.enqueue_dma source(%dma_start3A_20 : memref<640x32xf32, #tpu.memory_space<vmem_shared>>) target(%dma_start3A_18 : memref<640x32xf32, #tpu.memory_space<hbm>>) target_semaphore(%run_scoped3A : memref<!tpu.dma_semaphore, #tpu.memory_space<semaphore_mem>>)
      %dma_wait3A = arith.constant 0 : i32
      %dma_wait3A_21 = tpu.memref_slice %arg6[%arg0, %mul3A_2, %dma_wait3A] : memref<2x10240x32xf32, #tpu.memory_space<hbm>> -> memref<1x640x32xf32, #tpu.memory_space<hbm>>
      %dma_wait3A_22 = tpu.memref_squeeze %dma_wait3A_21 : memref<1x640x32xf32, #tpu.memory_space<hbm>> -> memref<640x32xf32, #tpu.memory_space<hbm>>
      %dma_wait3A_23 = arith.constant 0 : i32
      %dma_wait3A_24 = tpu.memref_slice %arg11[%mul3A_2, %dma_wait3A_23] : memref<10240x32xf32, #tpu.memory_space<vmem_shared>> -> memref<640x32xf32, #tpu.memory_space<vmem_shared>>
      tpu.wait_dma2 semaphore(%run_scoped3A : memref<!tpu.dma_semaphore, #tpu.memory_space<semaphore_mem>>) src(%dma_wait3A_24 : memref<640x32xf32, #tpu.memory_space<vmem_shared>>) dst(%dma_wait3A_22 : memref<640x32xf32, #tpu.memory_space<hbm>>)
      tpu.yield
    }) : () -> ()
    return
  }
}

#map = affine_map<(d0, d1) -> (0)>
#map1 = affine_map<(d0, d1) -> (0, 0, 0)>
#map2 = affine_map<(d0, d1) -> (0, 0)>
module attributes {stable_mosaic.version = 14 : i64} {
  func.func @body(%arg0: i32, %arg1: i32, %arg2: memref<10240xf32, #tpu.memory_space<hbm>>, %arg3: memref<32x80x125xi32, #tpu.memory_space<hbm>>, %arg4: memref<32x80x125xi32, #tpu.memory_space<hbm>>, %arg5: memref<10240xf32, #tpu.memory_space<hbm>>, %arg6: memref<2x10240xf32, #tpu.memory_space<hbm>>, %arg7: memref<80x125xi32, #tpu.memory_space<vmem>>, %arg8: memref<80x125xi32, #tpu.memory_space<vmem>>, %arg9: memref<125xf32, #tpu.memory_space<vmem>>, %arg10: memref<125xf32, #tpu.memory_space<vmem>>, %arg11: memref<10240xf32, #tpu.memory_space<vmem_shared>>, %arg12: memref<!tpu.dma_semaphore, #tpu.memory_space<semaphore_mem>>, %arg13: memref<!tpu.dma_semaphore, #tpu.memory_space<semaphore_mem>>) attributes {dimension_semantics = [#tpu.dimension_semantics<core_parallel>, #tpu.dimension_semantics<subcore_parallel>], iteration_bounds = array<i64: 2, 16>, scalar_prefetch = 0 : i64, scratch_operands = 7 : i64, tpu.core_type = #tpu.core_type<sc_vector_subcore>, window_params = [{transform_indices = #map}, {transform_indices = #map1}, {transform_indices = #map1}, {transform_indices = #map}, {transform_indices = #map2}]} {
    %mul3A = arith.constant 16 : i32
    %mul3A_0 = arith.muli %arg0, %mul3A : i32
    %add3A = arith.addi %mul3A_0, %arg1 : i32
    "tpu.region"() ({
      %run_scoped3A = tpu.sem_alloc : memref<!tpu.dma_semaphore, #tpu.memory_space<semaphore_mem>>
      %dma_start3A_15 = arith.constant 0 : i32
      %dma_start3A_16 = arith.constant 0 : i32
      %dma_start3A_17 = tpu.memref_slice %arg3[%add3A, %dma_start3A_15, %dma_start3A_16] : memref<32x80x125xi32, #tpu.memory_space<hbm>> -> memref<1x80x125xi32, #tpu.memory_space<hbm>>
      %dma_start3A_18 = tpu.memref_squeeze %dma_start3A_17 : memref<1x80x125xi32, #tpu.memory_space<hbm>> -> memref<80x125xi32, #tpu.memory_space<hbm>>
      %dma_start3A_19 = arith.constant 0 : i32
      %dma_start3A_20 = arith.constant 0 : i32
      %dma_start3A_21 = tpu.memref_slice %arg3[%add3A, %dma_start3A_19, %dma_start3A_20] : memref<32x80x125xi32, #tpu.memory_space<hbm>> -> memref<1x80x125xi32, #tpu.memory_space<hbm>>
      %dma_start3A_22 = tpu.memref_squeeze %dma_start3A_21 : memref<1x80x125xi32, #tpu.memory_space<hbm>> -> memref<80x125xi32, #tpu.memory_space<hbm>>
      tpu.enqueue_dma source(%dma_start3A_22 : memref<80x125xi32, #tpu.memory_space<hbm>>) target(%arg7 : memref<80x125xi32, #tpu.memory_space<vmem>>) target_semaphore(%run_scoped3A : memref<!tpu.dma_semaphore, #tpu.memory_space<semaphore_mem>>)
      %dma_wait3A = arith.constant 0 : i32
      %dma_wait3A_23 = arith.constant 0 : i32
      %dma_wait3A_24 = tpu.memref_slice %arg3[%add3A, %dma_wait3A, %dma_wait3A_23] : memref<32x80x125xi32, #tpu.memory_space<hbm>> -> memref<1x80x125xi32, #tpu.memory_space<hbm>>
      %dma_wait3A_25 = tpu.memref_squeeze %dma_wait3A_24 : memref<1x80x125xi32, #tpu.memory_space<hbm>> -> memref<80x125xi32, #tpu.memory_space<hbm>>
      %dma_wait3A_26 = arith.constant 0 : i32
      %dma_wait3A_27 = arith.constant 0 : i32
      %dma_wait3A_28 = tpu.memref_slice %arg3[%add3A, %dma_wait3A_26, %dma_wait3A_27] : memref<32x80x125xi32, #tpu.memory_space<hbm>> -> memref<1x80x125xi32, #tpu.memory_space<hbm>>
      %dma_wait3A_29 = tpu.memref_squeeze %dma_wait3A_28 : memref<1x80x125xi32, #tpu.memory_space<hbm>> -> memref<80x125xi32, #tpu.memory_space<hbm>>
      tpu.wait_dma2 semaphore(%run_scoped3A : memref<!tpu.dma_semaphore, #tpu.memory_space<semaphore_mem>>) src(%dma_wait3A_29 : memref<80x125xi32, #tpu.memory_space<hbm>>) dst(%arg7 : memref<80x125xi32, #tpu.memory_space<vmem>>)
      tpu.yield
    }) : () -> ()
    "tpu.region"() ({
      %run_scoped3A = tpu.sem_alloc : memref<!tpu.dma_semaphore, #tpu.memory_space<semaphore_mem>>
      %dma_start3A_15 = arith.constant 0 : i32
      %dma_start3A_16 = arith.constant 0 : i32
      %dma_start3A_17 = tpu.memref_slice %arg4[%add3A, %dma_start3A_15, %dma_start3A_16] : memref<32x80x125xi32, #tpu.memory_space<hbm>> -> memref<1x80x125xi32, #tpu.memory_space<hbm>>
      %dma_start3A_18 = tpu.memref_squeeze %dma_start3A_17 : memref<1x80x125xi32, #tpu.memory_space<hbm>> -> memref<80x125xi32, #tpu.memory_space<hbm>>
      %dma_start3A_19 = arith.constant 0 : i32
      %dma_start3A_20 = arith.constant 0 : i32
      %dma_start3A_21 = tpu.memref_slice %arg4[%add3A, %dma_start3A_19, %dma_start3A_20] : memref<32x80x125xi32, #tpu.memory_space<hbm>> -> memref<1x80x125xi32, #tpu.memory_space<hbm>>
      %dma_start3A_22 = tpu.memref_squeeze %dma_start3A_21 : memref<1x80x125xi32, #tpu.memory_space<hbm>> -> memref<80x125xi32, #tpu.memory_space<hbm>>
      tpu.enqueue_dma source(%dma_start3A_22 : memref<80x125xi32, #tpu.memory_space<hbm>>) target(%arg8 : memref<80x125xi32, #tpu.memory_space<vmem>>) target_semaphore(%run_scoped3A : memref<!tpu.dma_semaphore, #tpu.memory_space<semaphore_mem>>)
      %dma_wait3A = arith.constant 0 : i32
      %dma_wait3A_23 = arith.constant 0 : i32
      %dma_wait3A_24 = tpu.memref_slice %arg4[%add3A, %dma_wait3A, %dma_wait3A_23] : memref<32x80x125xi32, #tpu.memory_space<hbm>> -> memref<1x80x125xi32, #tpu.memory_space<hbm>>
      %dma_wait3A_25 = tpu.memref_squeeze %dma_wait3A_24 : memref<1x80x125xi32, #tpu.memory_space<hbm>> -> memref<80x125xi32, #tpu.memory_space<hbm>>
      %dma_wait3A_26 = arith.constant 0 : i32
      %dma_wait3A_27 = arith.constant 0 : i32
      %dma_wait3A_28 = tpu.memref_slice %arg4[%add3A, %dma_wait3A_26, %dma_wait3A_27] : memref<32x80x125xi32, #tpu.memory_space<hbm>> -> memref<1x80x125xi32, #tpu.memory_space<hbm>>
      %dma_wait3A_29 = tpu.memref_squeeze %dma_wait3A_28 : memref<1x80x125xi32, #tpu.memory_space<hbm>> -> memref<80x125xi32, #tpu.memory_space<hbm>>
      tpu.wait_dma2 semaphore(%run_scoped3A : memref<!tpu.dma_semaphore, #tpu.memory_space<semaphore_mem>>) src(%dma_wait3A_29 : memref<80x125xi32, #tpu.memory_space<hbm>>) dst(%arg8 : memref<80x125xi32, #tpu.memory_space<vmem>>)
      tpu.yield
    }) : () -> ()
    %mul3A_1 = arith.constant 640 : i32
    %mul3A_2 = arith.muli %arg1, %mul3A_1 : i32
    "tpu.region"() ({
      %run_scoped3A = tpu.sem_alloc : memref<!tpu.dma_semaphore, #tpu.memory_space<semaphore_mem>>
      %dma_start3A_15 = tpu.memref_slice %arg11[%mul3A_2] : memref<10240xf32, #tpu.memory_space<vmem_shared>> -> memref<640xf32, #tpu.memory_space<vmem_shared>>
      %dma_start3A_16 = tpu.memref_slice %arg5[%mul3A_2] : memref<10240xf32, #tpu.memory_space<hbm>> -> memref<640xf32, #tpu.memory_space<hbm>>
      tpu.enqueue_dma source(%dma_start3A_16 : memref<640xf32, #tpu.memory_space<hbm>>) target(%dma_start3A_15 : memref<640xf32, #tpu.memory_space<vmem_shared>>) target_semaphore(%run_scoped3A : memref<!tpu.dma_semaphore, #tpu.memory_space<semaphore_mem>>)
      %dma_wait3A = tpu.memref_slice %arg11[%mul3A_2] : memref<10240xf32, #tpu.memory_space<vmem_shared>> -> memref<640xf32, #tpu.memory_space<vmem_shared>>
      %dma_wait3A_17 = tpu.memref_slice %arg5[%mul3A_2] : memref<10240xf32, #tpu.memory_space<hbm>> -> memref<640xf32, #tpu.memory_space<hbm>>
      tpu.wait_dma2 semaphore(%run_scoped3A : memref<!tpu.dma_semaphore, #tpu.memory_space<semaphore_mem>>) src(%dma_wait3A_17 : memref<640xf32, #tpu.memory_space<hbm>>) dst(%dma_wait3A : memref<640xf32, #tpu.memory_space<vmem_shared>>)
      tpu.yield
    }) : () -> ()
    %barrier3A = arith.constant 0 : index
    tpu.barrier barrier_id(%barrier3A)
    %dma_start3A = arith.constant 0 : i32
    %dma_start3A_3 = arith.constant 0 : i32
    %dma_start3A_4 = tpu.memref_slice %arg7[%dma_start3A, %dma_start3A_3] : memref<80x125xi32, #tpu.memory_space<vmem>> -> memref<1x125xi32, #tpu.memory_space<vmem>>
    %dma_start3A_5 = tpu.memref_squeeze %dma_start3A_4 : memref<1x125xi32, #tpu.memory_space<vmem>> -> memref<125xi32, #tpu.memory_space<vmem>>
    %dma_start3A_6 = arith.constant 0 : i32
    %dma_start3A_7 = tpu.memref_slice %arg2[%dma_start3A_6] : memref<10240xf32, #tpu.memory_space<hbm>> -> memref<10240xf32, #tpu.memory_space<hbm>>
    tpu.enqueue_indirect_dma source(%dma_start3A_7 : memref<10240xf32, #tpu.memory_space<hbm>>) target(%arg9 : memref<125xf32, #tpu.memory_space<vmem>>) offsets(%dma_start3A_5 : memref<125xi32, #tpu.memory_space<vmem>>) semaphore(%arg12 : memref<!tpu.dma_semaphore, #tpu.memory_space<semaphore_mem>>)
    %scan3A = arith.constant 0 : i32
    %scan3A_8 = arith.constant 0 : i32
    %scan3A_9 = arith.constant 40 : i32
    %scan3A_10 = arith.addi %scan3A_8, %scan3A_9 : i32
    %scan3A_11 = arith.constant 1 : i32
    %scan3A_12 = scf.for %scan3A_15 = %scan3A_8 to %scan3A_10 step %scan3A_11 iter_args(%scan3A_16 = %scan3A) -> (i32)  : i32 {
      %mul3A_17 = arith.constant 2 : i32
      %mul3A_18 = arith.muli %mul3A_17, %scan3A_15 : i32
      %add3A_19 = arith.constant 1 : i32
      %add3A_20 = arith.addi %mul3A_18, %add3A_19 : i32
      %dma_start3A_21 = arith.constant 0 : i32
      %dma_start3A_22 = tpu.memref_slice %arg7[%add3A_20, %dma_start3A_21] : memref<80x125xi32, #tpu.memory_space<vmem>> -> memref<1x125xi32, #tpu.memory_space<vmem>>
      %dma_start3A_23 = tpu.memref_squeeze %dma_start3A_22 : memref<1x125xi32, #tpu.memory_space<vmem>> -> memref<125xi32, #tpu.memory_space<vmem>>
      %dma_start3A_24 = arith.constant 0 : i32
      %dma_start3A_25 = tpu.memref_slice %arg2[%dma_start3A_24] : memref<10240xf32, #tpu.memory_space<hbm>> -> memref<10240xf32, #tpu.memory_space<hbm>>
      tpu.enqueue_indirect_dma source(%dma_start3A_25 : memref<10240xf32, #tpu.memory_space<hbm>>) target(%arg10 : memref<125xf32, #tpu.memory_space<vmem>>) offsets(%dma_start3A_23 : memref<125xi32, #tpu.memory_space<vmem>>) semaphore(%arg13 : memref<!tpu.dma_semaphore, #tpu.memory_space<semaphore_mem>>)
      %dma_wait3A = arith.constant 0 : i32
      %dma_wait3A_26 = tpu.memref_slice %arg7[%mul3A_18, %dma_wait3A] : memref<80x125xi32, #tpu.memory_space<vmem>> -> memref<1x125xi32, #tpu.memory_space<vmem>>
      %dma_wait3A_27 = tpu.memref_squeeze %dma_wait3A_26 : memref<1x125xi32, #tpu.memory_space<vmem>> -> memref<125xi32, #tpu.memory_space<vmem>>
      %dma_wait3A_28 = arith.constant 0 : i32
      %dma_wait3A_29 = tpu.memref_slice %arg2[%dma_wait3A_28] : memref<10240xf32, #tpu.memory_space<hbm>> -> memref<10240xf32, #tpu.memory_space<hbm>>
      tpu.wait_indirect_dma semaphore(%arg12 : memref<!tpu.dma_semaphore, #tpu.memory_space<semaphore_mem>>) src(%dma_wait3A_29 : memref<10240xf32, #tpu.memory_space<hbm>>) dst(%arg9 : memref<125xf32, #tpu.memory_space<vmem>>)
      "tpu.region"() ({
        %run_scoped3A = tpu.sem_alloc : memref<!tpu.dma_semaphore, #tpu.memory_space<semaphore_mem>>
        %dma_start3A_40 = arith.constant 0 : i32
        %dma_start3A_41 = tpu.memref_slice %arg8[%mul3A_18, %dma_start3A_40] : memref<80x125xi32, #tpu.memory_space<vmem>> -> memref<1x125xi32, #tpu.memory_space<vmem>>
        %dma_start3A_42 = tpu.memref_squeeze %dma_start3A_41 : memref<1x125xi32, #tpu.memory_space<vmem>> -> memref<125xi32, #tpu.memory_space<vmem>>
        %dma_start3A_43 = arith.constant 0 : i32
        %dma_start3A_44 = tpu.memref_slice %arg11[%dma_start3A_43] : memref<10240xf32, #tpu.memory_space<vmem_shared>> -> memref<10240xf32, #tpu.memory_space<vmem_shared>>
        tpu.enqueue_indirect_dma source(%arg9 : memref<125xf32, #tpu.memory_space<vmem>>) target(%dma_start3A_44 : memref<10240xf32, #tpu.memory_space<vmem_shared>>) offsets(%dma_start3A_42 : memref<125xi32, #tpu.memory_space<vmem>>) semaphore(%run_scoped3A : memref<!tpu.dma_semaphore, #tpu.memory_space<semaphore_mem>>) {add = true}
        %dma_wait3A_45 = arith.constant 0 : i32
        %dma_wait3A_46 = tpu.memref_slice %arg8[%mul3A_18, %dma_wait3A_45] : memref<80x125xi32, #tpu.memory_space<vmem>> -> memref<1x125xi32, #tpu.memory_space<vmem>>
        %dma_wait3A_47 = tpu.memref_squeeze %dma_wait3A_46 : memref<1x125xi32, #tpu.memory_space<vmem>> -> memref<125xi32, #tpu.memory_space<vmem>>
        %dma_wait3A_48 = arith.constant 0 : i32
        %dma_wait3A_49 = tpu.memref_slice %arg11[%dma_wait3A_48] : memref<10240xf32, #tpu.memory_space<vmem_shared>> -> memref<10240xf32, #tpu.memory_space<vmem_shared>>
        tpu.wait_indirect_dma semaphore(%run_scoped3A : memref<!tpu.dma_semaphore, #tpu.memory_space<semaphore_mem>>) src(%arg9 : memref<125xf32, #tpu.memory_space<vmem>>) dst(%dma_wait3A_49 : memref<10240xf32, #tpu.memory_space<vmem_shared>>)
        tpu.yield
      }) : () -> ()
      %add3A_30 = arith.constant 1 : i32
      %add3A_31 = arith.addi %scan3A_15, %add3A_30 : i32
      %lt3A = arith.constant 40 : i32
      %lt3A_32 = arith.cmpi slt, %add3A_31, %lt3A : i32
      %convert_element_type3A = arith.extui %lt3A_32 : i1 to i32
      %cond3A = arith.constant 0 : i32
      %cond3A_33 = arith.cmpi ne, %convert_element_type3A, %cond3A : i32
      scf.if %cond3A_33 {
        %add3A_40 = arith.constant 2 : i32
        %add3A_41 = arith.addi %mul3A_18, %add3A_40 : i32
        %dma_start3A_42 = arith.constant 0 : i32
        %dma_start3A_43 = tpu.memref_slice %arg7[%add3A_41, %dma_start3A_42] : memref<80x125xi32, #tpu.memory_space<vmem>> -> memref<1x125xi32, #tpu.memory_space<vmem>>
        %dma_start3A_44 = tpu.memref_squeeze %dma_start3A_43 : memref<1x125xi32, #tpu.memory_space<vmem>> -> memref<125xi32, #tpu.memory_space<vmem>>
        %dma_start3A_45 = arith.constant 0 : i32
        %dma_start3A_46 = tpu.memref_slice %arg2[%dma_start3A_45] : memref<10240xf32, #tpu.memory_space<hbm>> -> memref<10240xf32, #tpu.memory_space<hbm>>
        tpu.enqueue_indirect_dma source(%dma_start3A_46 : memref<10240xf32, #tpu.memory_space<hbm>>) target(%arg9 : memref<125xf32, #tpu.memory_space<vmem>>) offsets(%dma_start3A_44 : memref<125xi32, #tpu.memory_space<vmem>>) semaphore(%arg12 : memref<!tpu.dma_semaphore, #tpu.memory_space<semaphore_mem>>)
      } else {
      }
      %dma_wait3A_34 = arith.constant 0 : i32
      %dma_wait3A_35 = tpu.memref_slice %arg7[%add3A_20, %dma_wait3A_34] : memref<80x125xi32, #tpu.memory_space<vmem>> -> memref<1x125xi32, #tpu.memory_space<vmem>>
      %dma_wait3A_36 = tpu.memref_squeeze %dma_wait3A_35 : memref<1x125xi32, #tpu.memory_space<vmem>> -> memref<125xi32, #tpu.memory_space<vmem>>
      %dma_wait3A_37 = arith.constant 0 : i32
      %dma_wait3A_38 = tpu.memref_slice %arg2[%dma_wait3A_37] : memref<10240xf32, #tpu.memory_space<hbm>> -> memref<10240xf32, #tpu.memory_space<hbm>>
      tpu.wait_indirect_dma semaphore(%arg13 : memref<!tpu.dma_semaphore, #tpu.memory_space<semaphore_mem>>) src(%dma_wait3A_38 : memref<10240xf32, #tpu.memory_space<hbm>>) dst(%arg10 : memref<125xf32, #tpu.memory_space<vmem>>)
      "tpu.region"() ({
        %run_scoped3A = tpu.sem_alloc : memref<!tpu.dma_semaphore, #tpu.memory_space<semaphore_mem>>
        %dma_start3A_40 = arith.constant 0 : i32
        %dma_start3A_41 = tpu.memref_slice %arg8[%add3A_20, %dma_start3A_40] : memref<80x125xi32, #tpu.memory_space<vmem>> -> memref<1x125xi32, #tpu.memory_space<vmem>>
        %dma_start3A_42 = tpu.memref_squeeze %dma_start3A_41 : memref<1x125xi32, #tpu.memory_space<vmem>> -> memref<125xi32, #tpu.memory_space<vmem>>
        %dma_start3A_43 = arith.constant 0 : i32
        %dma_start3A_44 = tpu.memref_slice %arg11[%dma_start3A_43] : memref<10240xf32, #tpu.memory_space<vmem_shared>> -> memref<10240xf32, #tpu.memory_space<vmem_shared>>
        tpu.enqueue_indirect_dma source(%arg10 : memref<125xf32, #tpu.memory_space<vmem>>) target(%dma_start3A_44 : memref<10240xf32, #tpu.memory_space<vmem_shared>>) offsets(%dma_start3A_42 : memref<125xi32, #tpu.memory_space<vmem>>) semaphore(%run_scoped3A : memref<!tpu.dma_semaphore, #tpu.memory_space<semaphore_mem>>) {add = true}
        %dma_wait3A_45 = arith.constant 0 : i32
        %dma_wait3A_46 = tpu.memref_slice %arg8[%add3A_20, %dma_wait3A_45] : memref<80x125xi32, #tpu.memory_space<vmem>> -> memref<1x125xi32, #tpu.memory_space<vmem>>
        %dma_wait3A_47 = tpu.memref_squeeze %dma_wait3A_46 : memref<1x125xi32, #tpu.memory_space<vmem>> -> memref<125xi32, #tpu.memory_space<vmem>>
        %dma_wait3A_48 = arith.constant 0 : i32
        %dma_wait3A_49 = tpu.memref_slice %arg11[%dma_wait3A_48] : memref<10240xf32, #tpu.memory_space<vmem_shared>> -> memref<10240xf32, #tpu.memory_space<vmem_shared>>
        tpu.wait_indirect_dma semaphore(%run_scoped3A : memref<!tpu.dma_semaphore, #tpu.memory_space<semaphore_mem>>) src(%arg10 : memref<125xf32, #tpu.memory_space<vmem>>) dst(%dma_wait3A_49 : memref<10240xf32, #tpu.memory_space<vmem_shared>>)
        tpu.yield
      }) : () -> ()
      %scan3A_39 = arith.constant 0 : i32
      scf.yield %scan3A_39 : i32
    }
    %scan3A_13 = arith.constant 40 : i32
    %barrier3A_14 = arith.constant 0 : index
    tpu.barrier barrier_id(%barrier3A_14)
    "tpu.region"() ({
      %run_scoped3A = tpu.sem_alloc : memref<!tpu.dma_semaphore, #tpu.memory_space<semaphore_mem>>
      %dma_start3A_15 = tpu.memref_slice %arg6[%arg0, %mul3A_2] : memref<2x10240xf32, #tpu.memory_space<hbm>> -> memref<1x640xf32, #tpu.memory_space<hbm>>
      %dma_start3A_16 = tpu.memref_squeeze %dma_start3A_15 : memref<1x640xf32, #tpu.memory_space<hbm>> -> memref<640xf32, #tpu.memory_space<hbm>>
      %dma_start3A_17 = tpu.memref_slice %arg11[%mul3A_2] : memref<10240xf32, #tpu.memory_space<vmem_shared>> -> memref<640xf32, #tpu.memory_space<vmem_shared>>
      tpu.enqueue_dma source(%dma_start3A_17 : memref<640xf32, #tpu.memory_space<vmem_shared>>) target(%dma_start3A_16 : memref<640xf32, #tpu.memory_space<hbm>>) target_semaphore(%run_scoped3A : memref<!tpu.dma_semaphore, #tpu.memory_space<semaphore_mem>>)
      %dma_wait3A = tpu.memref_slice %arg6[%arg0, %mul3A_2] : memref<2x10240xf32, #tpu.memory_space<hbm>> -> memref<1x640xf32, #tpu.memory_space<hbm>>
      %dma_wait3A_18 = tpu.memref_squeeze %dma_wait3A : memref<1x640xf32, #tpu.memory_space<hbm>> -> memref<640xf32, #tpu.memory_space<hbm>>
      %dma_wait3A_19 = tpu.memref_slice %arg11[%mul3A_2] : memref<10240xf32, #tpu.memory_space<vmem_shared>> -> memref<640xf32, #tpu.memory_space<vmem_shared>>
      tpu.wait_dma2 semaphore(%run_scoped3A : memref<!tpu.dma_semaphore, #tpu.memory_space<semaphore_mem>>) src(%dma_wait3A_19 : memref<640xf32, #tpu.memory_space<vmem_shared>>) dst(%dma_wait3A_18 : memref<640xf32, #tpu.memory_space<hbm>>)
      tpu.yield
    }) : () -> ()
    return
  }
}

#map = affine_map<(d0, d1) -> (0)>
#map1 = affine_map<(d0, d1) -> (0, 0, 0)>
#map2 = affine_map<(d0, d1) -> (0, 0)>
module attributes {stable_mosaic.version = 14 : i64} {
  func.func @body(%arg0: i32, %arg1: i32, %arg2: memref<125xf32, #tpu.memory_space<hbm>>, %arg3: memref<32x80x125xi32, #tpu.memory_space<hbm>>, %arg4: memref<10240xf32, #tpu.memory_space<hbm>>, %arg5: memref<2x10240xf32, #tpu.memory_space<hbm>>, %arg6: memref<80x125xi32, #tpu.memory_space<vmem>>, %arg7: memref<125xf32, #tpu.memory_space<vmem>>, %arg8: memref<10240xf32, #tpu.memory_space<vmem_shared>>, %arg9: memref<!tpu.dma_semaphore, #tpu.memory_space<semaphore_mem>>) attributes {dimension_semantics = [#tpu.dimension_semantics<core_parallel>, #tpu.dimension_semantics<subcore_parallel>], iteration_bounds = array<i64: 2, 16>, scalar_prefetch = 0 : i64, scratch_operands = 4 : i64, tpu.core_type = #tpu.core_type<sc_vector_subcore>, window_params = [{transform_indices = #map}, {transform_indices = #map1}, {transform_indices = #map}, {transform_indices = #map2}]} {
    %mul3A = arith.constant 16 : i32
    %mul3A_0 = arith.muli %arg0, %mul3A : i32
    %add3A = arith.addi %mul3A_0, %arg1 : i32
    "tpu.region"() ({
      %run_scoped3A = tpu.sem_alloc : memref<!tpu.dma_semaphore, #tpu.memory_space<semaphore_mem>>
      tpu.enqueue_dma source(%arg2 : memref<125xf32, #tpu.memory_space<hbm>>) target(%arg7 : memref<125xf32, #tpu.memory_space<vmem>>) target_semaphore(%run_scoped3A : memref<!tpu.dma_semaphore, #tpu.memory_space<semaphore_mem>>)
      tpu.wait_dma2 semaphore(%run_scoped3A : memref<!tpu.dma_semaphore, #tpu.memory_space<semaphore_mem>>) src(%arg2 : memref<125xf32, #tpu.memory_space<hbm>>) dst(%arg7 : memref<125xf32, #tpu.memory_space<vmem>>)
      tpu.yield
    }) : () -> ()
    "tpu.region"() ({
      %run_scoped3A = tpu.sem_alloc : memref<!tpu.dma_semaphore, #tpu.memory_space<semaphore_mem>>
      %dma_start3A = arith.constant 0 : i32
      %dma_start3A_10 = arith.constant 0 : i32
      %dma_start3A_11 = tpu.memref_slice %arg3[%add3A, %dma_start3A, %dma_start3A_10] : memref<32x80x125xi32, #tpu.memory_space<hbm>> -> memref<1x80x125xi32, #tpu.memory_space<hbm>>
      %dma_start3A_12 = tpu.memref_squeeze %dma_start3A_11 : memref<1x80x125xi32, #tpu.memory_space<hbm>> -> memref<80x125xi32, #tpu.memory_space<hbm>>
      %dma_start3A_13 = arith.constant 0 : i32
      %dma_start3A_14 = arith.constant 0 : i32
      %dma_start3A_15 = tpu.memref_slice %arg3[%add3A, %dma_start3A_13, %dma_start3A_14] : memref<32x80x125xi32, #tpu.memory_space<hbm>> -> memref<1x80x125xi32, #tpu.memory_space<hbm>>
      %dma_start3A_16 = tpu.memref_squeeze %dma_start3A_15 : memref<1x80x125xi32, #tpu.memory_space<hbm>> -> memref<80x125xi32, #tpu.memory_space<hbm>>
      tpu.enqueue_dma source(%dma_start3A_16 : memref<80x125xi32, #tpu.memory_space<hbm>>) target(%arg6 : memref<80x125xi32, #tpu.memory_space<vmem>>) target_semaphore(%run_scoped3A : memref<!tpu.dma_semaphore, #tpu.memory_space<semaphore_mem>>)
      %dma_wait3A = arith.constant 0 : i32
      %dma_wait3A_17 = arith.constant 0 : i32
      %dma_wait3A_18 = tpu.memref_slice %arg3[%add3A, %dma_wait3A, %dma_wait3A_17] : memref<32x80x125xi32, #tpu.memory_space<hbm>> -> memref<1x80x125xi32, #tpu.memory_space<hbm>>
      %dma_wait3A_19 = tpu.memref_squeeze %dma_wait3A_18 : memref<1x80x125xi32, #tpu.memory_space<hbm>> -> memref<80x125xi32, #tpu.memory_space<hbm>>
      %dma_wait3A_20 = arith.constant 0 : i32
      %dma_wait3A_21 = arith.constant 0 : i32
      %dma_wait3A_22 = tpu.memref_slice %arg3[%add3A, %dma_wait3A_20, %dma_wait3A_21] : memref<32x80x125xi32, #tpu.memory_space<hbm>> -> memref<1x80x125xi32, #tpu.memory_space<hbm>>
      %dma_wait3A_23 = tpu.memref_squeeze %dma_wait3A_22 : memref<1x80x125xi32, #tpu.memory_space<hbm>> -> memref<80x125xi32, #tpu.memory_space<hbm>>
      tpu.wait_dma2 semaphore(%run_scoped3A : memref<!tpu.dma_semaphore, #tpu.memory_space<semaphore_mem>>) src(%dma_wait3A_23 : memref<80x125xi32, #tpu.memory_space<hbm>>) dst(%arg6 : memref<80x125xi32, #tpu.memory_space<vmem>>)
      tpu.yield
    }) : () -> ()
    %mul3A_1 = arith.constant 640 : i32
    %mul3A_2 = arith.muli %arg1, %mul3A_1 : i32
    "tpu.region"() ({
      %run_scoped3A = tpu.sem_alloc : memref<!tpu.dma_semaphore, #tpu.memory_space<semaphore_mem>>
      %dma_start3A = tpu.memref_slice %arg8[%mul3A_2] : memref<10240xf32, #tpu.memory_space<vmem_shared>> -> memref<640xf32, #tpu.memory_space<vmem_shared>>
      %dma_start3A_10 = tpu.memref_slice %arg4[%mul3A_2] : memref<10240xf32, #tpu.memory_space<hbm>> -> memref<640xf32, #tpu.memory_space<hbm>>
      tpu.enqueue_dma source(%dma_start3A_10 : memref<640xf32, #tpu.memory_space<hbm>>) target(%dma_start3A : memref<640xf32, #tpu.memory_space<vmem_shared>>) target_semaphore(%run_scoped3A : memref<!tpu.dma_semaphore, #tpu.memory_space<semaphore_mem>>)
      %dma_wait3A = tpu.memref_slice %arg8[%mul3A_2] : memref<10240xf32, #tpu.memory_space<vmem_shared>> -> memref<640xf32, #tpu.memory_space<vmem_shared>>
      %dma_wait3A_11 = tpu.memref_slice %arg4[%mul3A_2] : memref<10240xf32, #tpu.memory_space<hbm>> -> memref<640xf32, #tpu.memory_space<hbm>>
      tpu.wait_dma2 semaphore(%run_scoped3A : memref<!tpu.dma_semaphore, #tpu.memory_space<semaphore_mem>>) src(%dma_wait3A_11 : memref<640xf32, #tpu.memory_space<hbm>>) dst(%dma_wait3A : memref<640xf32, #tpu.memory_space<vmem_shared>>)
      tpu.yield
    }) : () -> ()
    %barrier3A = arith.constant 0 : index
    tpu.barrier barrier_id(%barrier3A)
    %scan3A = arith.constant 0 : i32
    %scan3A_3 = arith.constant 0 : i32
    %scan3A_4 = arith.constant 10 : i32
    %scan3A_5 = arith.addi %scan3A_3, %scan3A_4 : i32
    %scan3A_6 = arith.constant 1 : i32
    %scan3A_7 = scf.for %scan3A_10 = %scan3A_3 to %scan3A_5 step %scan3A_6 iter_args(%scan3A_11 = %scan3A) -> (i32)  : i32 {
      %mul3A_12 = arith.constant 8 : i32
      %mul3A_13 = arith.muli %scan3A_10, %mul3A_12 : i32
      %add3A_14 = arith.constant 0 : i32
      %add3A_15 = arith.addi %mul3A_13, %add3A_14 : i32
      %dma_start3A = arith.constant 0 : i32
      %dma_start3A_16 = tpu.memref_slice %arg6[%add3A_15, %dma_start3A] : memref<80x125xi32, #tpu.memory_space<vmem>> -> memref<1x125xi32, #tpu.memory_space<vmem>>
      %dma_start3A_17 = tpu.memref_squeeze %dma_start3A_16 : memref<1x125xi32, #tpu.memory_space<vmem>> -> memref<125xi32, #tpu.memory_space<vmem>>
      %dma_start3A_18 = arith.constant 0 : i32
      %dma_start3A_19 = tpu.memref_slice %arg8[%dma_start3A_18] : memref<10240xf32, #tpu.memory_space<vmem_shared>> -> memref<10240xf32, #tpu.memory_space<vmem_shared>>
      tpu.enqueue_indirect_dma source(%arg7 : memref<125xf32, #tpu.memory_space<vmem>>) target(%dma_start3A_19 : memref<10240xf32, #tpu.memory_space<vmem_shared>>) offsets(%dma_start3A_17 : memref<125xi32, #tpu.memory_space<vmem>>) semaphore(%arg9 : memref<!tpu.dma_semaphore, #tpu.memory_space<semaphore_mem>>) {add = true}
      %mul3A_20 = arith.constant 8 : i32
      %mul3A_21 = arith.muli %scan3A_10, %mul3A_20 : i32
      %add3A_22 = arith.constant 1 : i32
      %add3A_23 = arith.addi %mul3A_21, %add3A_22 : i32
      %dma_start3A_24 = arith.constant 0 : i32
      %dma_start3A_25 = tpu.memref_slice %arg6[%add3A_23, %dma_start3A_24] : memref<80x125xi32, #tpu.memory_space<vmem>> -> memref<1x125xi32, #tpu.memory_space<vmem>>
      %dma_start3A_26 = tpu.memref_squeeze %dma_start3A_25 : memref<1x125xi32, #tpu.memory_space<vmem>> -> memref<125xi32, #tpu.memory_space<vmem>>
      %dma_start3A_27 = arith.constant 0 : i32
      %dma_start3A_28 = tpu.memref_slice %arg8[%dma_start3A_27] : memref<10240xf32, #tpu.memory_space<vmem_shared>> -> memref<10240xf32, #tpu.memory_space<vmem_shared>>
      tpu.enqueue_indirect_dma source(%arg7 : memref<125xf32, #tpu.memory_space<vmem>>) target(%dma_start3A_28 : memref<10240xf32, #tpu.memory_space<vmem_shared>>) offsets(%dma_start3A_26 : memref<125xi32, #tpu.memory_space<vmem>>) semaphore(%arg9 : memref<!tpu.dma_semaphore, #tpu.memory_space<semaphore_mem>>) {add = true}
      %mul3A_29 = arith.constant 8 : i32
      %mul3A_30 = arith.muli %scan3A_10, %mul3A_29 : i32
      %add3A_31 = arith.constant 2 : i32
      %add3A_32 = arith.addi %mul3A_30, %add3A_31 : i32
      %dma_start3A_33 = arith.constant 0 : i32
      %dma_start3A_34 = tpu.memref_slice %arg6[%add3A_32, %dma_start3A_33] : memref<80x125xi32, #tpu.memory_space<vmem>> -> memref<1x125xi32, #tpu.memory_space<vmem>>
      %dma_start3A_35 = tpu.memref_squeeze %dma_start3A_34 : memref<1x125xi32, #tpu.memory_space<vmem>> -> memref<125xi32, #tpu.memory_space<vmem>>
      %dma_start3A_36 = arith.constant 0 : i32
      %dma_start3A_37 = tpu.memref_slice %arg8[%dma_start3A_36] : memref<10240xf32, #tpu.memory_space<vmem_shared>> -> memref<10240xf32, #tpu.memory_space<vmem_shared>>
      tpu.enqueue_indirect_dma source(%arg7 : memref<125xf32, #tpu.memory_space<vmem>>) target(%dma_start3A_37 : memref<10240xf32, #tpu.memory_space<vmem_shared>>) offsets(%dma_start3A_35 : memref<125xi32, #tpu.memory_space<vmem>>) semaphore(%arg9 : memref<!tpu.dma_semaphore, #tpu.memory_space<semaphore_mem>>) {add = true}
      %mul3A_38 = arith.constant 8 : i32
      %mul3A_39 = arith.muli %scan3A_10, %mul3A_38 : i32
      %add3A_40 = arith.constant 3 : i32
      %add3A_41 = arith.addi %mul3A_39, %add3A_40 : i32
      %dma_start3A_42 = arith.constant 0 : i32
      %dma_start3A_43 = tpu.memref_slice %arg6[%add3A_41, %dma_start3A_42] : memref<80x125xi32, #tpu.memory_space<vmem>> -> memref<1x125xi32, #tpu.memory_space<vmem>>
      %dma_start3A_44 = tpu.memref_squeeze %dma_start3A_43 : memref<1x125xi32, #tpu.memory_space<vmem>> -> memref<125xi32, #tpu.memory_space<vmem>>
      %dma_start3A_45 = arith.constant 0 : i32
      %dma_start3A_46 = tpu.memref_slice %arg8[%dma_start3A_45] : memref<10240xf32, #tpu.memory_space<vmem_shared>> -> memref<10240xf32, #tpu.memory_space<vmem_shared>>
      tpu.enqueue_indirect_dma source(%arg7 : memref<125xf32, #tpu.memory_space<vmem>>) target(%dma_start3A_46 : memref<10240xf32, #tpu.memory_space<vmem_shared>>) offsets(%dma_start3A_44 : memref<125xi32, #tpu.memory_space<vmem>>) semaphore(%arg9 : memref<!tpu.dma_semaphore, #tpu.memory_space<semaphore_mem>>) {add = true}
      %mul3A_47 = arith.constant 8 : i32
      %mul3A_48 = arith.muli %scan3A_10, %mul3A_47 : i32
      %add3A_49 = arith.constant 4 : i32
      %add3A_50 = arith.addi %mul3A_48, %add3A_49 : i32
      %dma_start3A_51 = arith.constant 0 : i32
      %dma_start3A_52 = tpu.memref_slice %arg6[%add3A_50, %dma_start3A_51] : memref<80x125xi32, #tpu.memory_space<vmem>> -> memref<1x125xi32, #tpu.memory_space<vmem>>
      %dma_start3A_53 = tpu.memref_squeeze %dma_start3A_52 : memref<1x125xi32, #tpu.memory_space<vmem>> -> memref<125xi32, #tpu.memory_space<vmem>>
      %dma_start3A_54 = arith.constant 0 : i32
      %dma_start3A_55 = tpu.memref_slice %arg8[%dma_start3A_54] : memref<10240xf32, #tpu.memory_space<vmem_shared>> -> memref<10240xf32, #tpu.memory_space<vmem_shared>>
      tpu.enqueue_indirect_dma source(%arg7 : memref<125xf32, #tpu.memory_space<vmem>>) target(%dma_start3A_55 : memref<10240xf32, #tpu.memory_space<vmem_shared>>) offsets(%dma_start3A_53 : memref<125xi32, #tpu.memory_space<vmem>>) semaphore(%arg9 : memref<!tpu.dma_semaphore, #tpu.memory_space<semaphore_mem>>) {add = true}
      %mul3A_56 = arith.constant 8 : i32
      %mul3A_57 = arith.muli %scan3A_10, %mul3A_56 : i32
      %add3A_58 = arith.constant 5 : i32
      %add3A_59 = arith.addi %mul3A_57, %add3A_58 : i32
      %dma_start3A_60 = arith.constant 0 : i32
      %dma_start3A_61 = tpu.memref_slice %arg6[%add3A_59, %dma_start3A_60] : memref<80x125xi32, #tpu.memory_space<vmem>> -> memref<1x125xi32, #tpu.memory_space<vmem>>
      %dma_start3A_62 = tpu.memref_squeeze %dma_start3A_61 : memref<1x125xi32, #tpu.memory_space<vmem>> -> memref<125xi32, #tpu.memory_space<vmem>>
      %dma_start3A_63 = arith.constant 0 : i32
      %dma_start3A_64 = tpu.memref_slice %arg8[%dma_start3A_63] : memref<10240xf32, #tpu.memory_space<vmem_shared>> -> memref<10240xf32, #tpu.memory_space<vmem_shared>>
      tpu.enqueue_indirect_dma source(%arg7 : memref<125xf32, #tpu.memory_space<vmem>>) target(%dma_start3A_64 : memref<10240xf32, #tpu.memory_space<vmem_shared>>) offsets(%dma_start3A_62 : memref<125xi32, #tpu.memory_space<vmem>>) semaphore(%arg9 : memref<!tpu.dma_semaphore, #tpu.memory_space<semaphore_mem>>) {add = true}
      %mul3A_65 = arith.constant 8 : i32
      %mul3A_66 = arith.muli %scan3A_10, %mul3A_65 : i32
      %add3A_67 = arith.constant 6 : i32
      %add3A_68 = arith.addi %mul3A_66, %add3A_67 : i32
      %dma_start3A_69 = arith.constant 0 : i32
      %dma_start3A_70 = tpu.memref_slice %arg6[%add3A_68, %dma_start3A_69] : memref<80x125xi32, #tpu.memory_space<vmem>> -> memref<1x125xi32, #tpu.memory_space<vmem>>
      %dma_start3A_71 = tpu.memref_squeeze %dma_start3A_70 : memref<1x125xi32, #tpu.memory_space<vmem>> -> memref<125xi32, #tpu.memory_space<vmem>>
      %dma_start3A_72 = arith.constant 0 : i32
      %dma_start3A_73 = tpu.memref_slice %arg8[%dma_start3A_72] : memref<10240xf32, #tpu.memory_space<vmem_shared>> -> memref<10240xf32, #tpu.memory_space<vmem_shared>>
      tpu.enqueue_indirect_dma source(%arg7 : memref<125xf32, #tpu.memory_space<vmem>>) target(%dma_start3A_73 : memref<10240xf32, #tpu.memory_space<vmem_shared>>) offsets(%dma_start3A_71 : memref<125xi32, #tpu.memory_space<vmem>>) semaphore(%arg9 : memref<!tpu.dma_semaphore, #tpu.memory_space<semaphore_mem>>) {add = true}
      %mul3A_74 = arith.constant 8 : i32
      %mul3A_75 = arith.muli %scan3A_10, %mul3A_74 : i32
      %add3A_76 = arith.constant 7 : i32
      %add3A_77 = arith.addi %mul3A_75, %add3A_76 : i32
      %dma_start3A_78 = arith.constant 0 : i32
      %dma_start3A_79 = tpu.memref_slice %arg6[%add3A_77, %dma_start3A_78] : memref<80x125xi32, #tpu.memory_space<vmem>> -> memref<1x125xi32, #tpu.memory_space<vmem>>
      %dma_start3A_80 = tpu.memref_squeeze %dma_start3A_79 : memref<1x125xi32, #tpu.memory_space<vmem>> -> memref<125xi32, #tpu.memory_space<vmem>>
      %dma_start3A_81 = arith.constant 0 : i32
      %dma_start3A_82 = tpu.memref_slice %arg8[%dma_start3A_81] : memref<10240xf32, #tpu.memory_space<vmem_shared>> -> memref<10240xf32, #tpu.memory_space<vmem_shared>>
      tpu.enqueue_indirect_dma source(%arg7 : memref<125xf32, #tpu.memory_space<vmem>>) target(%dma_start3A_82 : memref<10240xf32, #tpu.memory_space<vmem_shared>>) offsets(%dma_start3A_80 : memref<125xi32, #tpu.memory_space<vmem>>) semaphore(%arg9 : memref<!tpu.dma_semaphore, #tpu.memory_space<semaphore_mem>>) {add = true}
      %mul3A_83 = arith.constant 8 : i32
      %mul3A_84 = arith.muli %scan3A_10, %mul3A_83 : i32
      %add3A_85 = arith.constant 0 : i32
      %add3A_86 = arith.addi %mul3A_84, %add3A_85 : i32
      %dma_wait3A = arith.constant 0 : i32
      %dma_wait3A_87 = tpu.memref_slice %arg6[%add3A_86, %dma_wait3A] : memref<80x125xi32, #tpu.memory_space<vmem>> -> memref<1x125xi32, #tpu.memory_space<vmem>>
      %dma_wait3A_88 = tpu.memref_squeeze %dma_wait3A_87 : memref<1x125xi32, #tpu.memory_space<vmem>> -> memref<125xi32, #tpu.memory_space<vmem>>
      %dma_wait3A_89 = arith.constant 0 : i32
      %dma_wait3A_90 = tpu.memref_slice %arg8[%dma_wait3A_89] : memref<10240xf32, #tpu.memory_space<vmem_shared>> -> memref<10240xf32, #tpu.memory_space<vmem_shared>>
      tpu.wait_indirect_dma semaphore(%arg9 : memref<!tpu.dma_semaphore, #tpu.memory_space<semaphore_mem>>) src(%arg7 : memref<125xf32, #tpu.memory_space<vmem>>) dst(%dma_wait3A_90 : memref<10240xf32, #tpu.memory_space<vmem_shared>>)
      %mul3A_91 = arith.constant 8 : i32
      %mul3A_92 = arith.muli %scan3A_10, %mul3A_91 : i32
      %add3A_93 = arith.constant 1 : i32
      %add3A_94 = arith.addi %mul3A_92, %add3A_93 : i32
      %dma_wait3A_95 = arith.constant 0 : i32
      %dma_wait3A_96 = tpu.memref_slice %arg6[%add3A_94, %dma_wait3A_95] : memref<80x125xi32, #tpu.memory_space<vmem>> -> memref<1x125xi32, #tpu.memory_space<vmem>>
      %dma_wait3A_97 = tpu.memref_squeeze %dma_wait3A_96 : memref<1x125xi32, #tpu.memory_space<vmem>> -> memref<125xi32, #tpu.memory_space<vmem>>
      %dma_wait3A_98 = arith.constant 0 : i32
      %dma_wait3A_99 = tpu.memref_slice %arg8[%dma_wait3A_98] : memref<10240xf32, #tpu.memory_space<vmem_shared>> -> memref<10240xf32, #tpu.memory_space<vmem_shared>>
      tpu.wait_indirect_dma semaphore(%arg9 : memref<!tpu.dma_semaphore, #tpu.memory_space<semaphore_mem>>) src(%arg7 : memref<125xf32, #tpu.memory_space<vmem>>) dst(%dma_wait3A_99 : memref<10240xf32, #tpu.memory_space<vmem_shared>>)
      %mul3A_100 = arith.constant 8 : i32
      %mul3A_101 = arith.muli %scan3A_10, %mul3A_100 : i32
      %add3A_102 = arith.constant 2 : i32
      %add3A_103 = arith.addi %mul3A_101, %add3A_102 : i32
      %dma_wait3A_104 = arith.constant 0 : i32
      %dma_wait3A_105 = tpu.memref_slice %arg6[%add3A_103, %dma_wait3A_104] : memref<80x125xi32, #tpu.memory_space<vmem>> -> memref<1x125xi32, #tpu.memory_space<vmem>>
      %dma_wait3A_106 = tpu.memref_squeeze %dma_wait3A_105 : memref<1x125xi32, #tpu.memory_space<vmem>> -> memref<125xi32, #tpu.memory_space<vmem>>
      %dma_wait3A_107 = arith.constant 0 : i32
      %dma_wait3A_108 = tpu.memref_slice %arg8[%dma_wait3A_107] : memref<10240xf32, #tpu.memory_space<vmem_shared>> -> memref<10240xf32, #tpu.memory_space<vmem_shared>>
      tpu.wait_indirect_dma semaphore(%arg9 : memref<!tpu.dma_semaphore, #tpu.memory_space<semaphore_mem>>) src(%arg7 : memref<125xf32, #tpu.memory_space<vmem>>) dst(%dma_wait3A_108 : memref<10240xf32, #tpu.memory_space<vmem_shared>>)
      %mul3A_109 = arith.constant 8 : i32
      %mul3A_110 = arith.muli %scan3A_10, %mul3A_109 : i32
      %add3A_111 = arith.constant 3 : i32
      %add3A_112 = arith.addi %mul3A_110, %add3A_111 : i32
      %dma_wait3A_113 = arith.constant 0 : i32
      %dma_wait3A_114 = tpu.memref_slice %arg6[%add3A_112, %dma_wait3A_113] : memref<80x125xi32, #tpu.memory_space<vmem>> -> memref<1x125xi32, #tpu.memory_space<vmem>>
      %dma_wait3A_115 = tpu.memref_squeeze %dma_wait3A_114 : memref<1x125xi32, #tpu.memory_space<vmem>> -> memref<125xi32, #tpu.memory_space<vmem>>
      %dma_wait3A_116 = arith.constant 0 : i32
      %dma_wait3A_117 = tpu.memref_slice %arg8[%dma_wait3A_116] : memref<10240xf32, #tpu.memory_space<vmem_shared>> -> memref<10240xf32, #tpu.memory_space<vmem_shared>>
      tpu.wait_indirect_dma semaphore(%arg9 : memref<!tpu.dma_semaphore, #tpu.memory_space<semaphore_mem>>) src(%arg7 : memref<125xf32, #tpu.memory_space<vmem>>) dst(%dma_wait3A_117 : memref<10240xf32, #tpu.memory_space<vmem_shared>>)
      %mul3A_118 = arith.constant 8 : i32
      %mul3A_119 = arith.muli %scan3A_10, %mul3A_118 : i32
      %add3A_120 = arith.constant 4 : i32
      %add3A_121 = arith.addi %mul3A_119, %add3A_120 : i32
      %dma_wait3A_122 = arith.constant 0 : i32
      %dma_wait3A_123 = tpu.memref_slice %arg6[%add3A_121, %dma_wait3A_122] : memref<80x125xi32, #tpu.memory_space<vmem>> -> memref<1x125xi32, #tpu.memory_space<vmem>>
      %dma_wait3A_124 = tpu.memref_squeeze %dma_wait3A_123 : memref<1x125xi32, #tpu.memory_space<vmem>> -> memref<125xi32, #tpu.memory_space<vmem>>
      %dma_wait3A_125 = arith.constant 0 : i32
      %dma_wait3A_126 = tpu.memref_slice %arg8[%dma_wait3A_125] : memref<10240xf32, #tpu.memory_space<vmem_shared>> -> memref<10240xf32, #tpu.memory_space<vmem_shared>>
      tpu.wait_indirect_dma semaphore(%arg9 : memref<!tpu.dma_semaphore, #tpu.memory_space<semaphore_mem>>) src(%arg7 : memref<125xf32, #tpu.memory_space<vmem>>) dst(%dma_wait3A_126 : memref<10240xf32, #tpu.memory_space<vmem_shared>>)
      %mul3A_127 = arith.constant 8 : i32
      %mul3A_128 = arith.muli %scan3A_10, %mul3A_127 : i32
      %add3A_129 = arith.constant 5 : i32
      %add3A_130 = arith.addi %mul3A_128, %add3A_129 : i32
      %dma_wait3A_131 = arith.constant 0 : i32
      %dma_wait3A_132 = tpu.memref_slice %arg6[%add3A_130, %dma_wait3A_131] : memref<80x125xi32, #tpu.memory_space<vmem>> -> memref<1x125xi32, #tpu.memory_space<vmem>>
      %dma_wait3A_133 = tpu.memref_squeeze %dma_wait3A_132 : memref<1x125xi32, #tpu.memory_space<vmem>> -> memref<125xi32, #tpu.memory_space<vmem>>
      %dma_wait3A_134 = arith.constant 0 : i32
      %dma_wait3A_135 = tpu.memref_slice %arg8[%dma_wait3A_134] : memref<10240xf32, #tpu.memory_space<vmem_shared>> -> memref<10240xf32, #tpu.memory_space<vmem_shared>>
      tpu.wait_indirect_dma semaphore(%arg9 : memref<!tpu.dma_semaphore, #tpu.memory_space<semaphore_mem>>) src(%arg7 : memref<125xf32, #tpu.memory_space<vmem>>) dst(%dma_wait3A_135 : memref<10240xf32, #tpu.memory_space<vmem_shared>>)
      %mul3A_136 = arith.constant 8 : i32
      %mul3A_137 = arith.muli %scan3A_10, %mul3A_136 : i32
      %add3A_138 = arith.constant 6 : i32
      %add3A_139 = arith.addi %mul3A_137, %add3A_138 : i32
      %dma_wait3A_140 = arith.constant 0 : i32
      %dma_wait3A_141 = tpu.memref_slice %arg6[%add3A_139, %dma_wait3A_140] : memref<80x125xi32, #tpu.memory_space<vmem>> -> memref<1x125xi32, #tpu.memory_space<vmem>>
      %dma_wait3A_142 = tpu.memref_squeeze %dma_wait3A_141 : memref<1x125xi32, #tpu.memory_space<vmem>> -> memref<125xi32, #tpu.memory_space<vmem>>
      %dma_wait3A_143 = arith.constant 0 : i32
      %dma_wait3A_144 = tpu.memref_slice %arg8[%dma_wait3A_143] : memref<10240xf32, #tpu.memory_space<vmem_shared>> -> memref<10240xf32, #tpu.memory_space<vmem_shared>>
      tpu.wait_indirect_dma semaphore(%arg9 : memref<!tpu.dma_semaphore, #tpu.memory_space<semaphore_mem>>) src(%arg7 : memref<125xf32, #tpu.memory_space<vmem>>) dst(%dma_wait3A_144 : memref<10240xf32, #tpu.memory_space<vmem_shared>>)
      %mul3A_145 = arith.constant 8 : i32
      %mul3A_146 = arith.muli %scan3A_10, %mul3A_145 : i32
      %add3A_147 = arith.constant 7 : i32
      %add3A_148 = arith.addi %mul3A_146, %add3A_147 : i32
      %dma_wait3A_149 = arith.constant 0 : i32
      %dma_wait3A_150 = tpu.memref_slice %arg6[%add3A_148, %dma_wait3A_149] : memref<80x125xi32, #tpu.memory_space<vmem>> -> memref<1x125xi32, #tpu.memory_space<vmem>>
      %dma_wait3A_151 = tpu.memref_squeeze %dma_wait3A_150 : memref<1x125xi32, #tpu.memory_space<vmem>> -> memref<125xi32, #tpu.memory_space<vmem>>
      %dma_wait3A_152 = arith.constant 0 : i32
      %dma_wait3A_153 = tpu.memref_slice %arg8[%dma_wait3A_152] : memref<10240xf32, #tpu.memory_space<vmem_shared>> -> memref<10240xf32, #tpu.memory_space<vmem_shared>>
      tpu.wait_indirect_dma semaphore(%arg9 : memref<!tpu.dma_semaphore, #tpu.memory_space<semaphore_mem>>) src(%arg7 : memref<125xf32, #tpu.memory_space<vmem>>) dst(%dma_wait3A_153 : memref<10240xf32, #tpu.memory_space<vmem_shared>>)
      %scan3A_154 = arith.constant 0 : i32
      scf.yield %scan3A_154 : i32
    }
    %scan3A_8 = arith.constant 10 : i32
    %barrier3A_9 = arith.constant 0 : index
    tpu.barrier barrier_id(%barrier3A_9)
    "tpu.region"() ({
      %run_scoped3A = tpu.sem_alloc : memref<!tpu.dma_semaphore, #tpu.memory_space<semaphore_mem>>
      %dma_start3A = tpu.memref_slice %arg5[%arg0, %mul3A_2] : memref<2x10240xf32, #tpu.memory_space<hbm>> -> memref<1x640xf32, #tpu.memory_space<hbm>>
      %dma_start3A_10 = tpu.memref_squeeze %dma_start3A : memref<1x640xf32, #tpu.memory_space<hbm>> -> memref<640xf32, #tpu.memory_space<hbm>>
      %dma_start3A_11 = tpu.memref_slice %arg8[%mul3A_2] : memref<10240xf32, #tpu.memory_space<vmem_shared>> -> memref<640xf32, #tpu.memory_space<vmem_shared>>
      tpu.enqueue_dma source(%dma_start3A_11 : memref<640xf32, #tpu.memory_space<vmem_shared>>) target(%dma_start3A_10 : memref<640xf32, #tpu.memory_space<hbm>>) target_semaphore(%run_scoped3A : memref<!tpu.dma_semaphore, #tpu.memory_space<semaphore_mem>>)
      %dma_wait3A = tpu.memref_slice %arg5[%arg0, %mul3A_2] : memref<2x10240xf32, #tpu.memory_space<hbm>> -> memref<1x640xf32, #tpu.memory_space<hbm>>
      %dma_wait3A_12 = tpu.memref_squeeze %dma_wait3A : memref<1x640xf32, #tpu.memory_space<hbm>> -> memref<640xf32, #tpu.memory_space<hbm>>
      %dma_wait3A_13 = tpu.memref_slice %arg8[%mul3A_2] : memref<10240xf32, #tpu.memory_space<vmem_shared>> -> memref<640xf32, #tpu.memory_space<vmem_shared>>
      tpu.wait_dma2 semaphore(%run_scoped3A : memref<!tpu.dma_semaphore, #tpu.memory_space<semaphore_mem>>) src(%dma_wait3A_13 : memref<640xf32, #tpu.memory_space<vmem_shared>>) dst(%dma_wait3A_12 : memref<640xf32, #tpu.memory_space<hbm>>)
      tpu.yield
    }) : () -> ()
    return
  }
}

module attributes {stable_mosaic.version = 14 : i64} {
  func.func @_tc_proj_kernel(%arg0: i32, %arg1: memref<1024x128xf32, #tpu.memory_space<vmem>>, %arg2: memref<128x64xf32, #tpu.memory_space<vmem>>, %arg3: memref<1024x32xf32, #tpu.memory_space<vmem>>, %arg4: memref<1024x32xf32, #tpu.memory_space<vmem>>) attributes {dimension_semantics = [#tpu.dimension_semantics<arbitrary>], iteration_bounds = array<i64: 10>, scalar_prefetch = 0 : i64, scratch_operands = 0 : i64, tpu.core_type = #tpu.core_type<tc>, window_params = [{transform_indices = @transform_0, window_bounds = array<i64: 1024, 128>}, {pipeline_mode = #tpu.pipeline_mode<synchronous>, transform_indices = @transform_1, window_bounds = array<i64: 128, 64>}, {transform_indices = @transform_2, window_bounds = array<i64: 1024, 32>}, {transform_indices = @transform_3, window_bounds = array<i64: 1024, 32>}]} {
    %get3A = arith.constant 0 : index
    %get3A_0 = arith.constant 0 : index
    %get3A_1 = vector.load %arg1[%get3A, %get3A_0] : memref<1024x128xf32, #tpu.memory_space<vmem>>, vector<1024x128xf32>
    %get3A_2 = arith.constant 0 : index
    %get3A_3 = arith.constant 0 : index
    %get3A_4 = vector.load %arg2[%get3A_2, %get3A_3] : memref<128x64xf32, #tpu.memory_space<vmem>>, vector<128x64xf32>
    %dot_general3A = arith.constant dense<0.000000e+00> : vector<1024x64xf32>
    %dot_general3A_5 = tpu.matmul %get3A_1, %get3A_4, %dot_general3A {dimension_numbers = #tpu.dot_dimension_numbers<[1], [0], [0], [1], [0, 0, 1, 1], [], []>, transpose_lhs_hint = false} : vector<1024x128xf32>, vector<128x64xf32>, vector<1024x64xf32> -> vector<1024x64xf32>
    %slice3A = vector.extract_strided_slice %dot_general3A_5 {offsets = [0, 0], sizes = [1024, 32], strides = [1, 1]} : vector<1024x64xf32> to vector<1024x32xf32>
    %swap3A = arith.constant 0 : index
    %swap3A_6 = arith.constant 0 : index
    %swap3A_7 = vector.load %arg3[%swap3A, %swap3A_6] : memref<1024x32xf32, #tpu.memory_space<vmem>>, vector<1024x32xf32>
    tpu.vector_store %arg3[%swap3A, %swap3A_6], %slice3A {strides = array<i32>} : memref<1024x32xf32, #tpu.memory_space<vmem>>, vector<1024x32xf32>,
    %slice3A_8 = vector.extract_strided_slice %dot_general3A_5 {offsets = [0, 32], sizes = [1024, 32], strides = [1, 1]} : vector<1024x64xf32> to vector<1024x32xf32>
    %swap3A_9 = arith.constant 0 : index
    %swap3A_10 = arith.constant 0 : index
    %swap3A_11 = vector.load %arg4[%swap3A_9, %swap3A_10] : memref<1024x32xf32, #tpu.memory_space<vmem>>, vector<1024x32xf32>
    tpu.vector_store %arg4[%swap3A_9, %swap3A_10], %slice3A_8 {strides = array<i32>} : memref<1024x32xf32, #tpu.memory_space<vmem>>, vector<1024x32xf32>,
    return
  }
  func.func @transform_0(%arg0: i32) -> (i32, i32) {
    %c0_i32 = arith.constant 0 : i32
    %c0_i32_0 = arith.constant 0 : i32
    return %arg0, %c0_i32 : i32, i32
  }
  func.func @transform_1(%arg0: i32) -> (i32, i32) {
    %c0_i32 = arith.constant 0 : i32
    %c0_i32_0 = arith.constant 0 : i32
    %c0_i32_1 = arith.constant 0 : i32
    return %c0_i32, %c0_i32_0 : i32, i32
  }
  func.func @transform_2(%arg0: i32) -> (i32, i32) {
    %c0_i32 = arith.constant 0 : i32
    %c0_i32_0 = arith.constant 0 : i32
    return %arg0, %c0_i32 : i32, i32
  }
  func.func @transform_3(%arg0: i32) -> (i32, i32) {
    %c0_i32 = arith.constant 0 : i32
    %c0_i32_0 = arith.constant 0 : i32
    return %arg0, %c0_i32 : i32, i32
  }
}

module attributes {stable_mosaic.version = 14 : i64} {
  func.func @_tc_layer1_post_kernel(%arg0: i32, %arg1: memref<1024x32xf32, #tpu.memory_space<vmem>>, %arg2: memref<1024x32xf32, #tpu.memory_space<vmem>>, %arg3: memref<1024x1xf32, #tpu.memory_space<vmem>>, %arg4: memref<1024x1xf32, #tpu.memory_space<vmem>>, %arg5: memref<1024x32xf32, #tpu.memory_space<vmem>>, %arg6: memref<1x32xf32, #tpu.memory_space<vmem>>, %arg7: memref<32x2xf32, #tpu.memory_space<vmem>>, %arg8: memref<1024x1xf32, #tpu.memory_space<vmem>>, %arg9: memref<1024x1xf32, #tpu.memory_space<vmem>>, %arg10: memref<1024x1xf32, #tpu.memory_space<vmem>>) attributes {dimension_semantics = [#tpu.dimension_semantics<arbitrary>], iteration_bounds = array<i64: 10>, scalar_prefetch = 0 : i64, scratch_operands = 0 : i64, tpu.core_type = #tpu.core_type<tc>, window_params = [{transform_indices = @transform_0, window_bounds = array<i64: 1024, 32>}, {transform_indices = @transform_1, window_bounds = array<i64: 1024, 32>}, {transform_indices = @transform_2, window_bounds = array<i64: 1024, 1>}, {transform_indices = @transform_3, window_bounds = array<i64: 1024, 1>}, {transform_indices = @transform_4, window_bounds = array<i64: 1024, 32>}, {pipeline_mode = #tpu.pipeline_mode<synchronous>, transform_indices = @transform_5, window_bounds = array<i64: 1, 32>}, {pipeline_mode = #tpu.pipeline_mode<synchronous>, transform_indices = @transform_6, window_bounds = array<i64: 32, 2>}, {transform_indices = @transform_7, window_bounds = array<i64: 1024, 1>}, {transform_indices = @transform_8, window_bounds = array<i64: 1024, 1>}, {transform_indices = @transform_9, window_bounds = array<i64: 1024, 1>}]} {
    %get3A = arith.constant 0 : index
    %get3A_0 = arith.constant 0 : index
    %get3A_1 = vector.load %arg3[%get3A, %get3A_0] : memref<1024x1xf32, #tpu.memory_space<vmem>>, vector<1024x1xf32>
    %get3A_2 = arith.constant 0 : index
    %get3A_3 = arith.constant 0 : index
    %get3A_4 = vector.load %arg4[%get3A_2, %get3A_3] : memref<1024x1xf32, #tpu.memory_space<vmem>>, vector<1024x1xf32>
    %add3A = arith.addf %get3A_1, %get3A_4 : vector<1024x1xf32>
    %max3A = arith.constant 1.000000e+00 : f32
    %max3A_5 = vector.broadcast %max3A : f32 to vector<1024x1xf32>
    %max3A_6 = arith.maximumf %add3A, %max3A_5 : vector<1024x1xf32>
    %get3A_7 = arith.constant 0 : index
    %get3A_8 = arith.constant 0 : index
    %get3A_9 = vector.load %arg1[%get3A_7, %get3A_8] : memref<1024x32xf32, #tpu.memory_space<vmem>>, vector<1024x32xf32>
    %get3A_10 = arith.constant 0 : index
    %get3A_11 = arith.constant 0 : index
    %get3A_12 = vector.load %arg2[%get3A_10, %get3A_11] : memref<1024x32xf32, #tpu.memory_space<vmem>>, vector<1024x32xf32>
    %add3A_13 = arith.addf %get3A_9, %get3A_12 : vector<1024x32xf32>
    %div3A = vector.broadcast %max3A_6 : vector<1024x1xf32> to vector<1024x32xf32>
    %div3A_14 = arith.divf %add3A_13, %div3A : vector<1024x32xf32>
    %get3A_15 = arith.constant 0 : index
    %get3A_16 = arith.constant 0 : index
    %get3A_17 = vector.load %arg6[%get3A_15, %get3A_16] : memref<1x32xf32, #tpu.memory_space<vmem>>, vector<1x32xf32>
    %add3A_18 = vector.broadcast %get3A_17 : vector<1x32xf32> to vector<1024x32xf32>
    %add3A_19 = arith.addf %div3A_14, %add3A_18 : vector<1024x32xf32>
    %get3A_20 = arith.constant 0 : index
    %get3A_21 = arith.constant 0 : index
    %get3A_22 = vector.load %arg5[%get3A_20, %get3A_21] : memref<1024x32xf32, #tpu.memory_space<vmem>>, vector<1024x32xf32>
    %add3A_23 = arith.addf %add3A_19, %get3A_22 : vector<1024x32xf32>
    %max3A_24 = arith.constant 0.000000e+00 : f32
    %max3A_25 = vector.broadcast %max3A_24 : f32 to vector<1024x32xf32>
    %max3A_26 = arith.maximumf %add3A_23, %max3A_25 : vector<1024x32xf32>
    %get3A_27 = arith.constant 0 : index
    %get3A_28 = arith.constant 0 : index
    %get3A_29 = vector.load %arg7[%get3A_27, %get3A_28] : memref<32x2xf32, #tpu.memory_space<vmem>>, vector<32x2xf32>
    %dot_general3A = arith.constant dense<0.000000e+00> : vector<1024x2xf32>
    %dot_general3A_30 = tpu.matmul %max3A_26, %get3A_29, %dot_general3A {dimension_numbers = #tpu.dot_dimension_numbers<[1], [0], [0], [1], [0, 0, 1, 1], [], []>, transpose_lhs_hint = false} : vector<1024x32xf32>, vector<32x2xf32>, vector<1024x2xf32> -> vector<1024x2xf32>
    %slice3A = vector.extract_strided_slice %dot_general3A_30 {offsets = [0, 0], sizes = [1024, 1], strides = [1, 1]} : vector<1024x2xf32> to vector<1024x1xf32>
    %swap3A = arith.constant 0 : index
    %swap3A_31 = arith.constant 0 : index
    %swap3A_32 = vector.load %arg8[%swap3A, %swap3A_31] : memref<1024x1xf32, #tpu.memory_space<vmem>>, vector<1024x1xf32>
    tpu.vector_store %arg8[%swap3A, %swap3A_31], %slice3A {strides = array<i32>} : memref<1024x1xf32, #tpu.memory_space<vmem>>, vector<1024x1xf32>,
    %slice3A_33 = vector.extract_strided_slice %dot_general3A_30 {offsets = [0, 1], sizes = [1024, 1], strides = [1, 1]} : vector<1024x2xf32> to vector<1024x1xf32>
    %swap3A_34 = arith.constant 0 : index
    %swap3A_35 = arith.constant 0 : index
    %swap3A_36 = vector.load %arg9[%swap3A_34, %swap3A_35] : memref<1024x1xf32, #tpu.memory_space<vmem>>, vector<1024x1xf32>
    tpu.vector_store %arg9[%swap3A_34, %swap3A_35], %slice3A_33 {strides = array<i32>} : memref<1024x1xf32, #tpu.memory_space<vmem>>, vector<1024x1xf32>,
    %swap3A_37 = arith.constant 0 : index
    %swap3A_38 = arith.constant 0 : index
    %swap3A_39 = vector.load %arg10[%swap3A_37, %swap3A_38] : memref<1024x1xf32, #tpu.memory_space<vmem>>, vector<1024x1xf32>
    tpu.vector_store %arg10[%swap3A_37, %swap3A_38], %max3A_6 {strides = array<i32>} : memref<1024x1xf32, #tpu.memory_space<vmem>>, vector<1024x1xf32>,
    return
  }
  func.func @transform_0(%arg0: i32) -> (i32, i32) {
    %c0_i32 = arith.constant 0 : i32
    %c0_i32_0 = arith.constant 0 : i32
    return %arg0, %c0_i32 : i32, i32
  }
  func.func @transform_1(%arg0: i32) -> (i32, i32) {
    %c0_i32 = arith.constant 0 : i32
    %c0_i32_0 = arith.constant 0 : i32
    return %arg0, %c0_i32 : i32, i32
  }
  func.func @transform_2(%arg0: i32) -> (i32, i32) {
    %c0_i32 = arith.constant 0 : i32
    %c0_i32_0 = arith.constant 0 : i32
    return %arg0, %c0_i32 : i32, i32
  }
  func.func @transform_3(%arg0: i32) -> (i32, i32) {
    %c0_i32 = arith.constant 0 : i32
    %c0_i32_0 = arith.constant 0 : i32
    return %arg0, %c0_i32 : i32, i32
  }
  func.func @transform_4(%arg0: i32) -> (i32, i32) {
    %c0_i32 = arith.constant 0 : i32
    %c0_i32_0 = arith.constant 0 : i32
    return %arg0, %c0_i32 : i32, i32
  }
  func.func @transform_5(%arg0: i32) -> (i32, i32) {
    %c0_i32 = arith.constant 0 : i32
    %c0_i32_0 = arith.constant 0 : i32
    %c0_i32_1 = arith.constant 0 : i32
    return %c0_i32, %c0_i32_0 : i32, i32
  }
  func.func @transform_6(%arg0: i32) -> (i32, i32) {
    %c0_i32 = arith.constant 0 : i32
    %c0_i32_0 = arith.constant 0 : i32
    %c0_i32_1 = arith.constant 0 : i32
    return %c0_i32, %c0_i32_0 : i32, i32
  }
  func.func @transform_7(%arg0: i32) -> (i32, i32) {
    %c0_i32 = arith.constant 0 : i32
    %c0_i32_0 = arith.constant 0 : i32
    return %arg0, %c0_i32 : i32, i32
  }
  func.func @transform_8(%arg0: i32) -> (i32, i32) {
    %c0_i32 = arith.constant 0 : i32
    %c0_i32_0 = arith.constant 0 : i32
    return %arg0, %c0_i32 : i32, i32
  }
  func.func @transform_9(%arg0: i32) -> (i32, i32) {
    %c0_i32 = arith.constant 0 : i32
    %c0_i32_0 = arith.constant 0 : i32
    return %arg0, %c0_i32 : i32, i32
  }
}

module attributes {stable_mosaic.version = 14 : i64} {
  func.func @_tc_final_kernel(%arg0: i32, %arg1: memref<1024x1xf32, #tpu.memory_space<vmem>>, %arg2: memref<1024x1xf32, #tpu.memory_space<vmem>>, %arg3: memref<1024x1xf32, #tpu.memory_space<vmem>>, %arg4: memref<1024x1xf32, #tpu.memory_space<vmem>>, %arg5: memref<1x1xf32, #tpu.memory_space<vmem>>, %arg6: memref<1024x1xf32, #tpu.memory_space<vmem>>) attributes {dimension_semantics = [#tpu.dimension_semantics<arbitrary>], iteration_bounds = array<i64: 10>, scalar_prefetch = 0 : i64, scratch_operands = 0 : i64, tpu.core_type = #tpu.core_type<tc>, window_params = [{transform_indices = @transform_0, window_bounds = array<i64: 1024, 1>}, {transform_indices = @transform_1, window_bounds = array<i64: 1024, 1>}, {transform_indices = @transform_2, window_bounds = array<i64: 1024, 1>}, {transform_indices = @transform_3, window_bounds = array<i64: 1024, 1>}, {pipeline_mode = #tpu.pipeline_mode<synchronous>, transform_indices = @transform_4, window_bounds = array<i64: 1, 1>}, {transform_indices = @transform_5, window_bounds = array<i64: 1024, 1>}]} {
    %get3A = arith.constant 0 : index
    %get3A_0 = arith.constant 0 : index
    %get3A_1 = vector.load %arg1[%get3A, %get3A_0] : memref<1024x1xf32, #tpu.memory_space<vmem>>, vector<1024x1xf32>
    %get3A_2 = arith.constant 0 : index
    %get3A_3 = arith.constant 0 : index
    %get3A_4 = vector.load %arg2[%get3A_2, %get3A_3] : memref<1024x1xf32, #tpu.memory_space<vmem>>, vector<1024x1xf32>
    %add3A = arith.addf %get3A_1, %get3A_4 : vector<1024x1xf32>
    %get3A_5 = arith.constant 0 : index
    %get3A_6 = arith.constant 0 : index
    %get3A_7 = vector.load %arg3[%get3A_5, %get3A_6] : memref<1024x1xf32, #tpu.memory_space<vmem>>, vector<1024x1xf32>
    %div3A = arith.divf %add3A, %get3A_7 : vector<1024x1xf32>
    %get3A_8 = arith.constant 0 : index
    %get3A_9 = arith.constant 0 : index
    %get3A_10 = vector.load %arg5[%get3A_8, %get3A_9] : memref<1x1xf32, #tpu.memory_space<vmem>>, vector<1x1xf32>
    %add3A_11 = vector.broadcast %get3A_10 : vector<1x1xf32> to vector<1024x1xf32>
    %add3A_12 = arith.addf %div3A, %add3A_11 : vector<1024x1xf32>
    %get3A_13 = arith.constant 0 : index
    %get3A_14 = arith.constant 0 : index
    %get3A_15 = vector.load %arg4[%get3A_13, %get3A_14] : memref<1024x1xf32, #tpu.memory_space<vmem>>, vector<1024x1xf32>
    %add3A_16 = arith.addf %add3A_12, %get3A_15 : vector<1024x1xf32>
    %swap3A = arith.constant 0 : index
    %swap3A_17 = arith.constant 0 : index
    %swap3A_18 = vector.load %arg6[%swap3A, %swap3A_17] : memref<1024x1xf32, #tpu.memory_space<vmem>>, vector<1024x1xf32>
    tpu.vector_store %arg6[%swap3A, %swap3A_17], %add3A_16 {strides = array<i32>} : memref<1024x1xf32, #tpu.memory_space<vmem>>, vector<1024x1xf32>,
    return
  }
  func.func @transform_0(%arg0: i32) -> (i32, i32) {
    %c0_i32 = arith.constant 0 : i32
    %c0_i32_0 = arith.constant 0 : i32
    return %arg0, %c0_i32 : i32, i32
  }
  func.func @transform_1(%arg0: i32) -> (i32, i32) {
    %c0_i32 = arith.constant 0 : i32
    %c0_i32_0 = arith.constant 0 : i32
    return %arg0, %c0_i32 : i32, i32
  }
  func.func @transform_2(%arg0: i32) -> (i32, i32) {
    %c0_i32 = arith.constant 0 : i32
    %c0_i32_0 = arith.constant 0 : i32
    return %arg0, %c0_i32 : i32, i32
  }
  func.func @transform_3(%arg0: i32) -> (i32, i32) {
    %c0_i32 = arith.constant 0 : i32
    %c0_i32_0 = arith.constant 0 : i32
    return %arg0, %c0_i32 : i32, i32
  }
  func.func @transform_4(%arg0: i32) -> (i32, i32) {
    %c0_i32 = arith.constant 0 : i32
    %c0_i32_0 = arith.constant 0 : i32
    %c0_i32_1 = arith.constant 0 : i32
    return %c0_i32, %c0_i32_0 : i32, i32
  }
  func.func @transform_5(%arg0: i32) -> (i32, i32) {
    %c0_i32 = arith.constant 0 : i32
    %c0_i32_0 = arith.constant 0 : i32
    return %arg0, %c0_i32 : i32, i32
  }
}

</mosaic_0001>

<sc_bundles>
// kernel: kernel.11.cloned.1.call-start
scs
__scs_entry_jumppad:
0x0: {  	(pc) =	sbr.rel $0x88, $3  }
0x1: {  	(tag) =	ssettag $0x0;
	lr =	simm.s32 $0x1  }
0x2: {  	[smem:$0x3F99] =	sst lr;
	_ =	strace $0xD0000000  }
0x3: {  	_ = 	snop  }
0x4: {  	_ = 	snop  }
0x5: {  	_ = 	snop  }
0x6: {  	_ = 	snop  }
0x7: {  	_ = 	snop  }
__scs_overlays_trampoline_lowered:
0x8: {  	[smem:$0x3FA8] =	sst s0  }
0x9: {  	[smem:$0x3FA9] =	sst s1  }
0xa: {  	[smem:$0x3FAA] =	sst s2  }
0xb: {  	[smem:$0x3FAB] =	sst s3  }
0xc: {  	[smem:$0x3FAC] =	sst s4  }
0xd: {  	[smem:$0x3FAD] =	sst s5  }
0xe: {  	[smem:$0x3FAE] =	sst s6  }
0xf: {  	[smem:$0x3FAF] =	sst s7  }
0x10: {  	[smem:$0x3FB0] =	sst s8  }
0x11: {  	[smem:$0x3FB1] =	sst s9;
	s0 =	simm.s32 @!p0 $0x0  }
0x12: {  	s1 =	sld [smem:$0x3F97];
	s0 =	simm.s32 @p0 $0x1  }
0x13: {  	[smem:$0x3FB2] =	sst s0;
	s0 =	simm.s32 @!p1 $0x0  }
0x14: {  	s2 =	sld [smem:$0x3F96];
	s0 =	simm.s32 @p1 $0x1  }
0x15: {  	[smem:$0x3FB3] =	sst s0;
	s0 =	simm.s32 @!p2 $0x0  }
0x16: {  	s3 =	sld [smem:$0x3FDB];
	s0 =	simm.s32 @p2 $0x1  }
0x17: {  	s4 =	simm.s32 $0x1BF5;
	[smem:$0x3FB5] =	sst s0  }
0x18: {  	s0 =	sld [smem:$0x3F98];
	_ =	swait.ge [sflag:s4], $0x0  }
0x19: {  	s7 =	sld [smem:$0x3F99]  }
0x1a: {  	s8 =	sadd.s32 $0xFFFFE003, lr  }
0x1b: {  	s9 =	sadd.s32 $0xFFFFFEF7, lr;
	s5 =	simm.s32 $0xFFFFFFFF;
	p2 =	slt.u32 s8, $0xFFFFF086  }
0x1c: {  	p1 =	slt.u32 s9, $0xF7A;
	s5 =	simm.s32 @!p2 $0x0  }
0x1d: {  	s5 =	simm.s32 @p1 $0x1;
	p0 =	seq.s32 s7, s2  }
0x1e: {  	s7 =	smul.u32 @!p0 $0xF7A, s2;
	p2 =	seq.s32 @!p0 s5, $0x0  }
0x1f: {  	s9 =	smul.u32 $0xF7A, s1;
	s8 =	simm.s32 @!p0 $0x1BF5;
	p2 =	por !p2, p0  }
0x20: {  	[sflag:s8] =	ssyncset.s32 @!p0 $0xFFFFF086;
	s6 =	sadd.s32 @!p0 s3, s7;
	s7 =	simm.s32 @!p0 $0x108  }
0x21: {  	s3 =	sadd.s32 s3, s9;
	s6 =	sadd.s32 @!p0 $0x88, s6;
	s7 =	simm.s32 @p2 $0x1082  }
0x22: {  	[simem:s7], [sflag:s8] =	dma.local @!p0 [hbm:s6], $0xF7A  }
0x23: {  	s9 =	sor.u32 $0xD0000000, s2;
	s6 =	simm.s32 $0x108;
	_ =	swait.ge @!p0 [sflag:s8], $0x0  }
0x24: {  	s3 =	sadd.s32 $0x88, s3;
	s6 =	simm.s32 @!p1 $0x1082;
	[sflag:s4] =	ssyncset.s32 $0xFFFFF086  }
0x25: {  	[simem:s6], [sflag:s4] =	dma.local [hbm:s3], $0xF7A  }
0x26: {  	[smem:$0x3F99] =	sst s1;
	(tag) =	ssettag s2;
	_ =	strace s9  }
0x27: {  	s1 =	sld [smem:$0x3FA9]  }
0x28: {  	s2 =	sld [smem:$0x3FAA]  }
0x29: {  	s4 =	sld [smem:$0x3FAC]  }
0x2a: {  	p0 =	seq.s32 s5, $0x0;
	s5 =	sld [smem:$0x3FAD]  }
0x2b: {  	s6 =	sld [smem:$0x3FAE]  }
0x2c: {  	s7 =	sld [smem:$0x3FAF]  }
0x2d: {  	s3 =	simm.s32 $0x108;
	s8 =	sld [smem:$0x3FB0]  }
0x2e: {  	s3 =	simm.s32 @!p0 $0x1082;
	s9 =	sld [smem:$0x3FB1]  }
0x2f: {  	lr =	sadd.s32 s0, s3;
	s0 =	sld [smem:$0x3FA8]  }
0x30: {  	s3 =	sld [smem:$0x3FAB]  }
0x31: {  	[smem:$0x3FB4] =	sst s10  }
0x32: {  	s10 =	sld [smem:$0x3FB2];
	_ =	sdelay $0x3  }
0x33: {  	p0 =	seq.s32 s10, $0x1;
	s10 =	sld [smem:$0x3FB4];
	_ =	sdelay $0x3  }
0x34: {  	[smem:$0x3FB4] =	sst s10  }
0x35: {  	s10 =	sld [smem:$0x3FB3];
	_ =	sdelay $0x3  }
0x36: {  	p1 =	seq.s32 s10, $0x1;
	s10 =	sld [smem:$0x3FB4];
	_ =	sdelay $0x3  }
0x37: {  	[smem:$0x3FB4] =	sst s10  }
0x38: {  	s10 =	sld [smem:$0x3FB5]  }
0x39: {  	_ = 	snop;
	(pc) =	sbr.ind lr, $3  }
0x3a: {  	_ = 	snop  }
0x3b: {  	_ = 	snop  }
0x3c: {  	p2 =	seq.s32 s10, $0x1;
	s10 =	sld [smem:$0x3FB4]  }
0x3d: {  	_ =	shalt  }
0x3e: {  	_ =	shalt  }
0x3f: {  	_ =	shalt  }
0x40: {  	_ =	shalt  }
0x41: {  	_ =	shalt  }
0x42: {  	_ =	shalt  }
0x43: {  	_ =	shalt  }
0x44: {  	_ =	shalt  }
0x45: {  	_ =	shalt  }
0x46: {  	_ =	shalt  }
0x47: {  	_ =	shalt  }
0x48: {  	_ =	shalt  }
0x49: {  	_ =	shalt  }
0x4a: {  	_ =	shalt  }
0x4b: {  	_ =	shalt  }
0x4c: {  	_ =	shalt  }
0x4d: {  	_ =	shalt  }
0x4e: {  	_ =	shalt  }
0x4f: {  	_ =	shalt  }
0x50: {  	_ =	shalt  }
0x51: {  	_ =	shalt  }
0x52: {  	_ =	shalt  }
0x53: {  	_ =	shalt  }
0x54: {  	_ =	shalt  }
0x55: {  	_ =	shalt  }
0x56: {  	_ =	shalt  }
0x57: {  	_ =	shalt  }
0x58: {  	_ =	shalt  }
0x59: {  	_ =	shalt  }
0x5a: {  	_ =	shalt  }
0x5b: {  	_ =	shalt  }
0x5c: {  	_ =	shalt  }
0x5d: {  	_ =	shalt  }
0x5e: {  	_ =	shalt  }
0x5f: {  	_ =	shalt  }
0x60: {  	_ =	shalt  }
0x61: {  	_ =	shalt  }
0x62: {  	_ =	shalt  }
0x63: {  	_ =	shalt  }
0x64: {  	_ =	shalt  }
0x65: {  	_ =	shalt  }
0x66: {  	_ =	shalt  }
0x67: {  	_ =	shalt  }
0x68: {  	_ =	shalt  }
0x69: {  	_ =	shalt  }
0x6a: {  	_ =	shalt  }
0x6b: {  	_ =	shalt  }
0x6c: {  	_ =	shalt  }
0x6d: {  	_ =	shalt  }
0x6e: {  	_ =	shalt  }
0x6f: {  	_ =	shalt  }
0x70: {  	_ =	shalt  }
0x71: {  	_ =	shalt  }
0x72: {  	_ =	shalt  }
0x73: {  	_ =	shalt  }
0x74: {  	_ =	shalt  }
0x75: {  	_ =	shalt  }
0x76: {  	_ =	shalt  }
0x77: {  	_ =	shalt  }
0x78: {  	_ =	shalt  }
0x79: {  	_ =	shalt  }
0x7a: {  	_ =	shalt  }
0x7b: {  	_ =	shalt  }
0x7c: {  	_ =	shalt  }
0x7d: {  	_ =	shalt  }
0x7e: {  	_ =	shalt  }
0x7f: {  	_ =	shalt  }
0x80: {  	_ =	shalt  }
0x81: {  	_ =	shalt  }
0x82: {  	_ =	shalt  }
0x83: {  	_ =	shalt  }
0x84: {  	_ =	shalt  }
0x85: {  	_ =	shalt  }
0x86: {  	_ =	shalt  }
0x87: {  	_ =	shalt  }
.Lfunc_end0:
.L_simem_size_0:
called_computation.1_lowered:
.L_overlay_start_0:
0x88: {  	s2 =	sld [smem:$0x3FD9]  }
0x89: {  	s3 =	sld [smem:$0x3FFE];
	_ =	sdelay $0x1  }
0x8a: {  	s1 =	srdreg.scid  }
0x8b: {  	s0 =	sand.u32 $0x1, s1  }
0x8c: {  	s16 =	sshll.u32 s0, $0xA;
	s2 =	sadd.s32 s3, s2  }
0x8d: {  	s2 =	sadd.s32 s2, s16  }
0x8e: {  	[smem:$0x3FC0] =	sst s2  }
0x8f: {  	_ = 	snop  }
0x90: {  	(tm) =	ssettm $0x1  }
0x91: {  	s17 =	sld [smem:$0x3FFB];
	_ =	sdelay $0x3  }
0x92: {  	_ =	strace s17  }
0x93: {  	s2 =	sld [smem:$0x3FFC];
	_ =	sdelay $0x3  }
0x94: {  	_ =	strace s2  }
0x95: {  	s2 =	sld [smem:$0x3FFD];
	_ =	sdelay $0x3  }
0x96: {  	_ =	strace s2  }
0x97: {  	_ =	strace $0x8FFFFFFF  }
0x98: {  	s18 =	sld [smem:$0x3FDB];
	_ =	sdelay $0x1  }
0x99: {  	s19 =	simm.s32 $_scs_section_size  }
0x9a: {  	s4 =	simm.s32 $_size__tile_overlayer_lowered;
	s5 =	simm.s32 $_tile_overlayer_lowered  }
0x9b: {  	s22 =	simm.s32 $0x1BFF;
	s21 =	sshll.u32 s5, $0x1;
	s2 =	sadd.s32 s19, s18  }
0x9c: {  	s6 =	simm.s32 $0x0;
	s20 =	sshll.u32 s4, $0x1;
	s4 =	sadd.s32 s21, s2  }
0x9d: {  	[timem:s6], [sflag:s22] =	dma.local [hbm:s4], s20  }
0x9e: {  	_ =	swait.ge [sflag:s22], s20  }
0x9f: {  	s3 =	ssub.s32 $0x0, s20;
	[sflag:s22] =	ssyncset.done $0x0  }
0xa0: {  	[sflag:s22] =	ssyncadd.s32 s3;
	_ =	sdelay $0x1  }
0xa1: {  	s23 =	simm.s32 $0x1B8B  }
0xa2: {  	_ =	swait.ge [sflag:s23], $0x1  }
0xa3: {  	[sflag:s23] =	ssyncset.done $0x0  }
0xa4: {  	s25 =	simm.s32 $0x1B8E;
	s24 =	sld [smem:$0x3FFE];
	[sflag:s23] =	ssyncadd.s32 $0xFFFFFFFF  }
0xa5: {  	s26 =	simm.s32 $execute0_lowered;
	[smem:$0x3FD2] =	sst s25  }
0xa6: {  	s4 =	sshll.u32 s26, $0x1;
	_ =	strace $0x80000046;
	[dreg:$0x1] =	wrdreg $0xFFFFFFFF  }
0xa7: {  	s28 =	simm.s32 $_size_execute0_lowered;
	s2 =	sadd.s32 s2, s4;
	[dreg:$0x0] =	wrdreg $0x0  }
0xa8: {  	s4 =	sshll.u32 s28, $0x1;
	[dreg:$0x2] =	wrdreg s2  }
0xa9: {  	[dreg:$0x3] =	wrdreg s4  }
0xaa: {  	[dreg:$0x4] =	wrdreg $0xC0  }
0xab: {  	_ =	task [dreg:s6], $0x5FFFF  }
0xac: {  	[dreg:$0x1] =	wrdreg $0xFFFFFFFF  }
0xad: {  	[dreg:$0x0] =	wrdreg $0x60  }
0xae: {  	[dreg:$0x2] =	wrdreg s24  }
0xaf: {  	[dreg:$0x3] =	wrdreg $0x6F400  }
0xb0: {  	[dreg:$0x4] =	wrdreg $0xA  }
0xb1: {  	_ =	task.clear_ibuf [dreg:s6], $0x5FFFF;
	_ =	strace $0x90000046  }
0xb2: {  	s29 =	simm.s32 $0xA;
	_ =	strace $0x80000048  }
0xb3: {  	_ =	swait.ge [sflag:s29], $0x1  }
0xb4: {  	[sflag:s29] =	ssyncadd.s32 $0xFFFFFFFF  }
0xb5: {  	_ =	strace $0x90000048  }
0xb6: {  	_ =	sfence  }
0xb7: {  	s30 =	sld [smem:$0x0];
	_ =	sdelay $0x2  }
0xb8: {  	s31 =	sshll.u32 s1, $0xD;
	s1 =	sshrl.u32 s1, $0x2  }
0xb9: {  	s3 =	sand.u32 $0x4000, s31;
	s1 =	sadd.s32 s1, s30  }
0xba: {  	s0 =	sor.u32 s3, s0;
	s1 =	sshll.u32 s1, $0x11  }
0xbb: {  	s0 =	sor.u32 s1, s0  }
0xbc: {  	s0 =	sadd.s32 $0x8F2B, s0  }
0xbd: {  	[sflag:s0] =	ssyncadd.remote.s32 $0x1  }
0xbe: {  	_ =	sfence.sel $0xFFFF  }
0xbf: {  	[dreg:$0x0] =	wrdreg $0xFFFFFFFF;
	(pc) =	sbr.abs _section_cstart, $3  }
0xc0: {  	[dreg:$0x1] =	wrdreg $0xFFFFFFFF  }
0xc1: {  	_ =	task.clear_ibuf [dreg:s6], $0x2FFFF;
	_ =	strace $0x9FFFFFFF  }
0xc2: {  	(tm) =	ssettm $0x7FFFFFFF  }
0xc3: {  	_ =	shalt  }
tec
execute0_lowered:
.L_overlay_start_1:
0x0: {  	(tag) =	ssettag $0x1  }
0x1: {  	s0 =	srdreg.scid;
	s6 =	rddreg [dreg:$0x0]  }
0x2: {  	s2 =	rddreg [dreg:$0x1];
	s3 =	simm.s32 $0x0;
	s14 =	simm.s32 $0x7D  }
0x3: {  	s15 =	simm.s32 $0x5000;
	s16 =	simm.s32 $0x5FA0;
	s17 =	simm.s32 $0x1  }
0x4: {  	s18 =	simm.s32 $0x2;
	s19 =	simm.s32 $0x2780;
	s20 =	simm.s32 $0x4F00  }
0x5: {  	s21 =	simm.s32 $0x4F80;
	s5 =	sand.u32 $0x1, s0;
	s0 =	stileid.u32  }
0x6: {  	s22 =	simm.s32 $0x0;
	[smem:$0x7FF] =	sst s3;
	s8 =	smul.u32 $0x5000, s0  }
0x7: {  	s4 =	sadd.s32 $0x3DE00, s6;
	s1 =	sshll.u32 s5, $0x4;
	s9 =	smul.u32 $0x50000, s5  }
0x8: {  	s5 =	ssub.s32 $0x2, s5;
	s12 =	sshll.u32 s0, $0x6;
	s1 =	sor.u32 s0, s1  }
0x9: {  	s31 =	sshrl.u32 s5, $0x1;
	s12 =	sor.u32 $0x1C03, s12;
	s7 =	smul.u32 $0x500, s1  }
0xa: {  	s1 =	rddreg [dreg:$0x2];
	_ =	strace $0x80000047;
	s9 =	sadd.s32 s8, s9  }
0xb: {  	s10 =	sshrl.u32 s8, $0x3;
	s11 =	ssub.s32 s5, s31;
	s13 =	sadd.s32 s8, s2  }
0xc: {  	s9 =	sshrl.u32 s9, $0x3;
	s10 =	sadd.s32 s10, s6;
	s7 =	sadd.s32 s7, s6  }
0xd: {  	s13 =	sshrl.u32 s13, $0x3;
	s9 =	sadd.s32 s9, s6;
	s5 =	sadd.s32 $0xBE00, s7  }
0xe: {  	s6 =	sadd.s32 $0x1E00, s7;
	s7 =	sadd.s32 $0x47E00, s10;
	s8 =	sadd.s32 $0x51E00, s9  }
0xf: {  	s9 =	smax.u32 s11, $0x1;
	s10 =	simm.s32 $0x3;
	s11 =	simm.s32 $0x2800  }
.LBB2_1:
0x10: {  	[tilespmem:s3], [sflag:$0x3] =	stream.linear.gather [hbm4b:s5+s3], $0x2800, $0x38;
	[tilespmem:$0xBF40] =	vst v63  }
0x11: {  	_ =	swait.ge [sflag:s10], $0x2800  }
0x12: {  	[sflag:s10] =	ssyncset.done $0x0  }
0x13: {  	[sflag:s10] =	ssyncadd.s32 $0xFFFFD800  }
0x14: {  	[tilespmem:s11], [sflag:$0x3] =	stream.linear.gather [hbm4b:s6+s3], $0x2800, $0x38;
	[tilespmem:$0xBF40] =	vst v63  }
0x15: {  	_ =	swait.ge [sflag:s10], $0x2800  }
0x16: {  	[sflag:s10] =	ssyncset.done $0x0  }
0x17: {  	[sflag:s10] =	ssyncadd.s32 $0xFFFFD800  }
0x18: {  	[spmem:s13], [sflag:s12] =	dma.local [hbm:s7], $0xA00  }
0x19: {  	_ =	swait.ge [sflag:s10], $0xA00  }
0x1a: {  	[sflag:s10] =	ssyncset.done $0x0  }
0x1b: {  	[sflag:s10] =	ssyncadd.s32 $0xFFFFF600  }
0x1c: {  	[bflag:$0x0] =	sbarrier.arrive $0xFFFF  }
0x1d: {  	[tilespmem:s15], [sflag:$0x1] =	stream.indirect.gather [hbm4b:s4+s14], $0x20, s3, s14, $0xb8;
	[tilespmem:$0xBF40] =	vst v63  }
0x1e: {  	s23 =	simm.s32 $0x80  }
0x1f: {  	[tilespmem:s16], [sflag:$0x2] =	stream.indirect.gather [hbm4b:s4+s14], $0x20, s23, s14, $0xb8;
	[tilespmem:$0xBF40] =	vst v63  }
0x20: {  	_ =	swait.ge [sflag:s17], $0xFA0  }
0x21: {  	[sflag:s17] =	ssyncset.done $0x0  }
0x22: {  	s29 =	simm.s32 $0x2800;
	[sflag:s17] =	ssyncadd.s32 $0xFFFFF060  }
0x23: {  	[spmem:s2] =	stream.indirect.scatter.add.f32 [tilespmem:s15], [sflag:$0x3], $0x20, s29, s14, $0xb8;
	[tilespmem:$0xBF40] =	vst v63  }
0x24: {  	_ =	swait.ge [sflag:s10], $0xFA0  }
0x25: {  	[sflag:s10] =	ssyncset.done $0x0  }
0x26: {  	s30 =	simm.s32 $0x100;
	[sflag:s10] =	ssyncadd.s32 $0xFFFFF060  }
0x27: {  	[tilespmem:s15], [sflag:$0x1] =	stream.indirect.gather [hbm4b:s4+s14], $0x20, s30, s14, $0xb8;
	[tilespmem:$0xBF40] =	vst v63  }
0x28: {  	_ =	swait.ge [sflag:s18], $0xFA0  }
0x29: {  	[sflag:s18] =	ssyncset.done $0x0  }
0x2a: {  	s31 =	simm.s32 $0x2880;
	[sflag:s18] =	ssyncadd.s32 $0xFFFFF060  }
0x2b: {  	[spmem:s2] =	stream.indirect.scatter.add.f32 [tilespmem:s16], [sflag:$0x3], $0x20, s31, s14, $0xb8;
	[tilespmem:$0xBF40] =	vst v63  }
0x2c: {  	_ =	swait.ge [sflag:s10], $0xFA0  }
0x2d: {  	s24 =	simm.s32 $0x800;
	s23 =	simm.s32 $0x100;
	[sflag:s10] =	ssyncset.done $0x0  }
.LBB2_2:
0x2e: {  	s25 =	sadd.s32 $0x80, s23  }
0x2f: {  	[sflag:s10] =	ssyncadd.s32 $0xFFFFF060;
	s26 =	smov.u32 s24;
	s28 =	sadd.s32 $0x400, s24  }
0x30: {  	[tilespmem:s16], [sflag:$0x2] =	stream.indirect.gather [hbm4b:s4+s14], $0x20, s25, s14, $0xb8;
	[tilespmem:$0xBF40] =	vst v63  }
0x31: {  	p0 =	sne.s32 s24, $0x9800;
	_ =	swait.ge [sflag:s17], $0xFA0  }
0x32: {  	[sflag:s17] =	ssyncset.done $0x0  }
0x33: {  	s24 =	sadd.s32 $0x2800, s23;
	[sflag:s17] =	ssyncadd.s32 $0xFFFFF060  }
0x34: {  	[spmem:s2] =	stream.indirect.scatter.add.f32 [tilespmem:s15], [sflag:$0x3], $0x20, s24, s14, $0xb8;
	[tilespmem:$0xBF40] =	vst v63  }
0x35: {  	_ =	swait.ge [sflag:s10], $0xFA0  }
0x36: {  	[sflag:s10] =	ssyncset.done $0x0  }
0x37: {  	s24 =	sadd.s32 $0x100, s23;
	[sflag:s10] =	ssyncadd.s32 $0xFFFFF060  }
0x38: {  	[tilespmem:s15], [sflag:$0x1] =	stream.indirect.gather [hbm4b:s4+s14], $0x20, s24, s14, $0xb8;
	[tilespmem:$0xBF40] =	vst v63  }
0x39: {  	_ =	swait.ge [sflag:s18], $0xFA0  }
.Ltmp0:
0x3a: {  	[sflag:s18] =	ssyncset.done $0x0;
	(pc) =	sbr.rel @p0 .LBB2_2-.Ltmp0, $4  }
0x3b: {  	s23 =	sadd.s32 $0x2880, s23;
	[sflag:s18] =	ssyncadd.s32 $0xFFFFF060  }
0x3c: {  	[spmem:s2] =	stream.indirect.scatter.add.f32 [tilespmem:s16], [sflag:$0x3], $0x20, s23, s14, $0xb8;
	[tilespmem:$0xBF40] =	vst v63  }
0x3d: {  	_ =	swait.ge [sflag:s10], $0xFA0  }
0x3e: {  	s24 =	smov.u32 s28;
	s23 =	sshra.s32 s26, $0x2;
	[sflag:s10] =	ssyncset.done $0x0  }
0x3f: {  	s24 =	sadd.s32 $0x80, s23;
	[sflag:s10] =	ssyncadd.s32 $0xFFFFF060  }
0x40: {  	[tilespmem:s16], [sflag:$0x2] =	stream.indirect.gather [hbm4b:s4+s14], $0x20, s24, s14, $0xb8;
	[tilespmem:$0xBF40] =	vst v63  }
0x41: {  	_ =	swait.ge [sflag:s17], $0xFA0  }
0x42: {  	[sflag:s17] =	ssyncset.done $0x0  }
0x43: {  	s29 =	sadd.s32 $0x2800, s23;
	[sflag:s17] =	ssyncadd.s32 $0xFFFFF060  }
0x44: {  	[spmem:s2] =	stream.indirect.scatter.add.f32 [tilespmem:s15], [sflag:$0x3], $0x20, s29, s14, $0xb8;
	[tilespmem:$0xBF40] =	vst v63  }
0x45: {  	_ =	swait.ge [sflag:s10], $0xFA0  }
0x46: {  	[sflag:s10] =	ssyncset.done $0x0  }
0x47: {  	s30 =	sadd.s32 $0x100, s23;
	[sflag:s10] =	ssyncadd.s32 $0xFFFFF060  }
0x48: {  	[tilespmem:s15], [sflag:$0x1] =	stream.indirect.gather [hbm4b:s4+s14], $0x20, s30, s14, $0xb8;
	[tilespmem:$0xBF40] =	vst v63  }
0x49: {  	_ =	swait.ge [sflag:s18], $0xFA0  }
0x4a: {  	[sflag:s18] =	ssyncset.done $0x0  }
0x4b: {  	s31 =	sadd.s32 $0x2880, s23;
	[sflag:s18] =	ssyncadd.s32 $0xFFFFF060  }
0x4c: {  	[spmem:s2] =	stream.indirect.scatter.add.f32 [tilespmem:s16], [sflag:$0x3], $0x20, s31, s14, $0xb8;
	[tilespmem:$0xBF40] =	vst v63  }
0x4d: {  	_ =	swait.ge [sflag:s10], $0xFA0  }
0x4e: {  	[sflag:s10] =	ssyncset.done $0x0  }
0x4f: {  	[sflag:s10] =	ssyncadd.s32 $0xFFFFF060  }
0x50: {  	[tilespmem:s16], [sflag:$0x2] =	stream.indirect.gather [hbm4b:s4+s14], $0x20, s19, s14, $0xb8;
	[tilespmem:$0xBF40] =	vst v63  }
0x51: {  	_ =	swait.ge [sflag:s17], $0xFA0  }
0x52: {  	[sflag:s17] =	ssyncset.done $0x0  }
0x53: {  	[sflag:s17] =	ssyncadd.s32 $0xFFFFF060  }
0x54: {  	[spmem:s2] =	stream.indirect.scatter.add.f32 [tilespmem:s15], [sflag:$0x3], $0x20, s20, s14, $0xb8;
	[tilespmem:$0xBF40] =	vst v63  }
0x55: {  	_ =	swait.ge [sflag:s10], $0xFA0  }
0x56: {  	[sflag:s10] =	ssyncset.done $0x0  }
0x57: {  	[sflag:s10] =	ssyncadd.s32 $0xFFFFF060  }
0x58: {  	_ =	swait.ge [sflag:s18], $0xFA0  }
0x59: {  	[sflag:s18] =	ssyncset.done $0x0  }
0x5a: {  	[sflag:s18] =	ssyncadd.s32 $0xFFFFF060  }
0x5b: {  	[spmem:s2] =	stream.indirect.scatter.add.f32 [tilespmem:s16], [sflag:$0x3], $0x20, s21, s14, $0xb8;
	[tilespmem:$0xBF40] =	vst v63  }
0x5c: {  	_ =	swait.ge [sflag:s10], $0xFA0  }
0x5d: {  	s22 =	sadd.s32 $0x1, s22;
	[sflag:s10] =	ssyncset.done $0x0  }
0x5e: {  	p0 =	sne.s32 s22, s9;
	[sflag:s10] =	ssyncadd.s32 $0xFFFFF060  }
.Ltmp1:
0x5f: {  	[bflag:$0x0] =	sbarrier.arrive $0xFFFF;
	(pc) =	sbr.rel @p0 .LBB2_1-.Ltmp1, $4  }
0x60: {  	[hbm:s8], [sflag:s12] =	dma.local [spmem:s13], $0xA00  }
0x61: {  	_ =	swait.ge [sflag:s10], $0xA00  }
0x62: {  	[sflag:s10] =	ssyncset.done $0x0  }
0x63: {  	[sflag:s10] =	ssyncadd.s32 $0xFFFFF600  }
0x64: {  	_ =	sfence.sel $0x180000  }
0x65: {  	[bflag:$0x0] =	sbarrier.arrive $0xFFFF  }
0x66: {  	p0 =	sne.s32 s0, $0x0;
	_ =	strace $0x90000047  }
0x67: {  	s0 =	sadd.s32 @!p0 $0x100000, s1;
	[bflag:$0x2] =	sbarrier.arrive $0xFFFF  }
0x68: {  	[sflag:s0] =	ssyncadd.tile.s32 @!p0 $0x1;
	_ =	shalt  }
.Lfunc_end2:
_tile_overlayer_lowered:
.L_overlay_start_2:
0x69: {  	(tag) =	ssettag $0x2  }
0x6a: {  	s0 =	rddreg [dreg:$0x0];
	s2 =	stileid.u32  }
0x6b: {  	s1 =	rddreg [dreg:$0x1];
	p0 =	sne.s32 s2, $0x0  }
0x6c: {  	s3 =	rddreg [dreg:$0x2];
	[bflag:$0x3] =	sbarrier.arrive $0xFFFF;
	s2 =	simm.s32 @!p0 $0x1C03  }
0x6d: {  	[timem:s3], [sflag:s2] =	dma.local @!p0 [hbm:s0], s1  }
0x6e: {  	s0 =	simm.s32 @!p0 $0x3  }
0x6f: {  	_ =	swait.ge @!p0 [sflag:s0], s1  }
0x70: {  	s1 =	ssub.s32 @!p0 $0x0, s1;
	[sflag:s0] =	ssyncset.done @!p0 $0x0  }
0x71: {  	[sflag:s0] =	ssyncadd.s32 @!p0 s1  }
0x72: {  	[bflag:$0x3] =	sbarrier.arrive $0xFFFF  }
0x73: {  	_ =	shalt  }

// kernel: kernel.14.cloned.1.call-start
scs
__scs_entry_jumppad:
0x0: {  	(pc) =	sbr.rel $0x88, $3  }
0x1: {  	(tag) =	ssettag $0x0;
	lr =	simm.s32 $0x1  }
0x2: {  	[smem:$0x3F99] =	sst lr;
	_ =	strace $0xD0000000  }
0x3: {  	_ = 	snop  }
0x4: {  	_ = 	snop  }
0x5: {  	_ = 	snop  }
0x6: {  	_ = 	snop  }
0x7: {  	_ = 	snop  }
__scs_overlays_trampoline_lowered:
0x8: {  	[smem:$0x3FA8] =	sst s0  }
0x9: {  	[smem:$0x3FA9] =	sst s1  }
0xa: {  	[smem:$0x3FAA] =	sst s2  }
0xb: {  	[smem:$0x3FAB] =	sst s3  }
0xc: {  	[smem:$0x3FAC] =	sst s4  }
0xd: {  	[smem:$0x3FAD] =	sst s5  }
0xe: {  	[smem:$0x3FAE] =	sst s6  }
0xf: {  	[smem:$0x3FAF] =	sst s7  }
0x10: {  	[smem:$0x3FB0] =	sst s8  }
0x11: {  	[smem:$0x3FB1] =	sst s9;
	s0 =	simm.s32 @!p0 $0x0  }
0x12: {  	s1 =	sld [smem:$0x3F97];
	s0 =	simm.s32 @p0 $0x1  }
0x13: {  	[smem:$0x3FB2] =	sst s0;
	s0 =	simm.s32 @!p1 $0x0  }
0x14: {  	s2 =	sld [smem:$0x3F96];
	s0 =	simm.s32 @p1 $0x1  }
0x15: {  	[smem:$0x3FB3] =	sst s0;
	s0 =	simm.s32 @!p2 $0x0  }
0x16: {  	s3 =	sld [smem:$0x3FDB];
	s0 =	simm.s32 @p2 $0x1  }
0x17: {  	s4 =	simm.s32 $0x1BF5;
	[smem:$0x3FB5] =	sst s0  }
0x18: {  	s0 =	sld [smem:$0x3F98];
	_ =	swait.ge [sflag:s4], $0x0  }
0x19: {  	s7 =	sld [smem:$0x3F99]  }
0x1a: {  	s8 =	sadd.s32 $0xFFFFE003, lr  }
0x1b: {  	s9 =	sadd.s32 $0xFFFFFEF7, lr;
	s5 =	simm.s32 $0xFFFFFFFF;
	p2 =	slt.u32 s8, $0xFFFFF086  }
0x1c: {  	p1 =	slt.u32 s9, $0xF7A;
	s5 =	simm.s32 @!p2 $0x0  }
0x1d: {  	s5 =	simm.s32 @p1 $0x1;
	p0 =	seq.s32 s7, s2  }
0x1e: {  	s7 =	smul.u32 @!p0 $0xF7A, s2;
	p2 =	seq.s32 @!p0 s5, $0x0  }
0x1f: {  	s9 =	smul.u32 $0xF7A, s1;
	s8 =	simm.s32 @!p0 $0x1BF5;
	p2 =	por !p2, p0  }
0x20: {  	[sflag:s8] =	ssyncset.s32 @!p0 $0xFFFFF086;
	s6 =	sadd.s32 @!p0 s3, s7;
	s7 =	simm.s32 @!p0 $0x108  }
0x21: {  	s3 =	sadd.s32 s3, s9;
	s6 =	sadd.s32 @!p0 $0x88, s6;
	s7 =	simm.s32 @p2 $0x1082  }
0x22: {  	[simem:s7], [sflag:s8] =	dma.local @!p0 [hbm:s6], $0xF7A  }
0x23: {  	s9 =	sor.u32 $0xD0000000, s2;
	s6 =	simm.s32 $0x108;
	_ =	swait.ge @!p0 [sflag:s8], $0x0  }
0x24: {  	s3 =	sadd.s32 $0x88, s3;
	s6 =	simm.s32 @!p1 $0x1082;
	[sflag:s4] =	ssyncset.s32 $0xFFFFF086  }
0x25: {  	[simem:s6], [sflag:s4] =	dma.local [hbm:s3], $0xF7A  }
0x26: {  	[smem:$0x3F99] =	sst s1;
	(tag) =	ssettag s2;
	_ =	strace s9  }
0x27: {  	s1 =	sld [smem:$0x3FA9]  }
0x28: {  	s2 =	sld [smem:$0x3FAA]  }
0x29: {  	s4 =	sld [smem:$0x3FAC]  }
0x2a: {  	p0 =	seq.s32 s5, $0x0;
	s5 =	sld [smem:$0x3FAD]  }
0x2b: {  	s6 =	sld [smem:$0x3FAE]  }
0x2c: {  	s7 =	sld [smem:$0x3FAF]  }
0x2d: {  	s3 =	simm.s32 $0x108;
	s8 =	sld [smem:$0x3FB0]  }
0x2e: {  	s3 =	simm.s32 @!p0 $0x1082;
	s9 =	sld [smem:$0x3FB1]  }
0x2f: {  	lr =	sadd.s32 s0, s3;
	s0 =	sld [smem:$0x3FA8]  }
0x30: {  	s3 =	sld [smem:$0x3FAB]  }
0x31: {  	[smem:$0x3FB4] =	sst s10  }
0x32: {  	s10 =	sld [smem:$0x3FB2];
	_ =	sdelay $0x3  }
0x33: {  	p0 =	seq.s32 s10, $0x1;
	s10 =	sld [smem:$0x3FB4];
	_ =	sdelay $0x3  }
0x34: {  	[smem:$0x3FB4] =	sst s10  }
0x35: {  	s10 =	sld [smem:$0x3FB3];
	_ =	sdelay $0x3  }
0x36: {  	p1 =	seq.s32 s10, $0x1;
	s10 =	sld [smem:$0x3FB4];
	_ =	sdelay $0x3  }
0x37: {  	[smem:$0x3FB4] =	sst s10  }
0x38: {  	s10 =	sld [smem:$0x3FB5]  }
0x39: {  	_ = 	snop;
	(pc) =	sbr.ind lr, $3  }
0x3a: {  	_ = 	snop  }
0x3b: {  	_ = 	snop  }
0x3c: {  	p2 =	seq.s32 s10, $0x1;
	s10 =	sld [smem:$0x3FB4]  }
0x3d: {  	_ =	shalt  }
0x3e: {  	_ =	shalt  }
0x3f: {  	_ =	shalt  }
0x40: {  	_ =	shalt  }
0x41: {  	_ =	shalt  }
0x42: {  	_ =	shalt  }
0x43: {  	_ =	shalt  }
0x44: {  	_ =	shalt  }
0x45: {  	_ =	shalt  }
0x46: {  	_ =	shalt  }
0x47: {  	_ =	shalt  }
0x48: {  	_ =	shalt  }
0x49: {  	_ =	shalt  }
0x4a: {  	_ =	shalt  }
0x4b: {  	_ =	shalt  }
0x4c: {  	_ =	shalt  }
0x4d: {  	_ =	shalt  }
0x4e: {  	_ =	shalt  }
0x4f: {  	_ =	shalt  }
0x50: {  	_ =	shalt  }
0x51: {  	_ =	shalt  }
0x52: {  	_ =	shalt  }
0x53: {  	_ =	shalt  }
0x54: {  	_ =	shalt  }
0x55: {  	_ =	shalt  }
0x56: {  	_ =	shalt  }
0x57: {  	_ =	shalt  }
0x58: {  	_ =	shalt  }
0x59: {  	_ =	shalt  }
0x5a: {  	_ =	shalt  }
0x5b: {  	_ =	shalt  }
0x5c: {  	_ =	shalt  }
0x5d: {  	_ =	shalt  }
0x5e: {  	_ =	shalt  }
0x5f: {  	_ =	shalt  }
0x60: {  	_ =	shalt  }
0x61: {  	_ =	shalt  }
0x62: {  	_ =	shalt  }
0x63: {  	_ =	shalt  }
0x64: {  	_ =	shalt  }
0x65: {  	_ =	shalt  }
0x66: {  	_ =	shalt  }
0x67: {  	_ =	shalt  }
0x68: {  	_ =	shalt  }
0x69: {  	_ =	shalt  }
0x6a: {  	_ =	shalt  }
0x6b: {  	_ =	shalt  }
0x6c: {  	_ =	shalt  }
0x6d: {  	_ =	shalt  }
0x6e: {  	_ =	shalt  }
0x6f: {  	_ =	shalt  }
0x70: {  	_ =	shalt  }
0x71: {  	_ =	shalt  }
0x72: {  	_ =	shalt  }
0x73: {  	_ =	shalt  }
0x74: {  	_ =	shalt  }
0x75: {  	_ =	shalt  }
0x76: {  	_ =	shalt  }
0x77: {  	_ =	shalt  }
0x78: {  	_ =	shalt  }
0x79: {  	_ =	shalt  }
0x7a: {  	_ =	shalt  }
0x7b: {  	_ =	shalt  }
0x7c: {  	_ =	shalt  }
0x7d: {  	_ =	shalt  }
0x7e: {  	_ =	shalt  }
0x7f: {  	_ =	shalt  }
0x80: {  	_ =	shalt  }
0x81: {  	_ =	shalt  }
0x82: {  	_ =	shalt  }
0x83: {  	_ =	shalt  }
0x84: {  	_ =	shalt  }
0x85: {  	_ =	shalt  }
0x86: {  	_ =	shalt  }
0x87: {  	_ =	shalt  }
.Lfunc_end0:
.L_simem_size_0:
called_computation.2_lowered:
.L_overlay_start_0:
0x88: {  	s2 =	sld [smem:$0x3FD9]  }
0x89: {  	s3 =	sld [smem:$0x3FFE];
	_ =	sdelay $0x1  }
0x8a: {  	s1 =	srdreg.scid  }
0x8b: {  	s0 =	sand.u32 $0x1, s1  }
0x8c: {  	s16 =	sshll.u32 s0, $0xA;
	s2 =	sadd.s32 s3, s2  }
0x8d: {  	s2 =	sadd.s32 s2, s16  }
0x8e: {  	[smem:$0x3FC0] =	sst s2  }
0x8f: {  	_ = 	snop  }
0x90: {  	(tm) =	ssettm $0x1  }
0x91: {  	s17 =	sld [smem:$0x3FFB];
	_ =	sdelay $0x3  }
0x92: {  	_ =	strace s17  }
0x93: {  	s2 =	sld [smem:$0x3FFC];
	_ =	sdelay $0x3  }
0x94: {  	_ =	strace s2  }
0x95: {  	s2 =	sld [smem:$0x3FFD];
	_ =	sdelay $0x3  }
0x96: {  	_ =	strace s2  }
0x97: {  	_ =	strace $0x8FFFFFFF  }
0x98: {  	s18 =	sld [smem:$0x3FDB];
	_ =	sdelay $0x1  }
0x99: {  	s19 =	simm.s32 $_scs_section_size  }
0x9a: {  	s4 =	simm.s32 $_size__tile_overlayer_lowered;
	s5 =	simm.s32 $_tile_overlayer_lowered  }
0x9b: {  	s22 =	simm.s32 $0x1BFF;
	s21 =	sshll.u32 s5, $0x1;
	s2 =	sadd.s32 s19, s18  }
0x9c: {  	s6 =	simm.s32 $0x0;
	s20 =	sshll.u32 s4, $0x1;
	s4 =	sadd.s32 s21, s2  }
0x9d: {  	[timem:s6], [sflag:s22] =	dma.local [hbm:s4], s20  }
0x9e: {  	_ =	swait.ge [sflag:s22], s20  }
0x9f: {  	s3 =	ssub.s32 $0x0, s20;
	[sflag:s22] =	ssyncset.done $0x0  }
0xa0: {  	[sflag:s22] =	ssyncadd.s32 s3;
	_ =	sdelay $0x1  }
0xa1: {  	s23 =	simm.s32 $0x1B8B  }
0xa2: {  	_ =	swait.ge [sflag:s23], $0x1  }
0xa3: {  	[sflag:s23] =	ssyncset.done $0x0  }
0xa4: {  	s25 =	simm.s32 $0x1B8E;
	s24 =	sld [smem:$0x3FFE];
	[sflag:s23] =	ssyncadd.s32 $0xFFFFFFFF  }
0xa5: {  	s26 =	simm.s32 $execute0_lowered;
	[smem:$0x3FD2] =	sst s25  }
0xa6: {  	s4 =	sshll.u32 s26, $0x1;
	_ =	strace $0x8000004C;
	[dreg:$0x1] =	wrdreg $0xFFFFFFFF  }
0xa7: {  	s28 =	simm.s32 $_size_execute0_lowered;
	s2 =	sadd.s32 s2, s4;
	[dreg:$0x0] =	wrdreg $0x0  }
0xa8: {  	s4 =	sshll.u32 s28, $0x1;
	[dreg:$0x2] =	wrdreg s2  }
0xa9: {  	[dreg:$0x3] =	wrdreg s4  }
0xaa: {  	[dreg:$0x4] =	wrdreg $0xC0  }
0xab: {  	_ =	task [dreg:s6], $0x5FFFF  }
0xac: {  	[dreg:$0x1] =	wrdreg $0xFFFFFFFF  }
0xad: {  	[dreg:$0x0] =	wrdreg $0x60  }
0xae: {  	[dreg:$0x2] =	wrdreg s24  }
0xaf: {  	[dreg:$0x3] =	wrdreg $0x51000  }
0xb0: {  	[dreg:$0x4] =	wrdreg $0x9  }
0xb1: {  	_ =	task.clear_ibuf [dreg:s6], $0x5FFFF;
	_ =	strace $0x9000004C  }
0xb2: {  	s29 =	simm.s32 $0x9;
	_ =	strace $0x8000004E  }
0xb3: {  	_ =	swait.ge [sflag:s29], $0x1  }
0xb4: {  	[sflag:s29] =	ssyncadd.s32 $0xFFFFFFFF  }
0xb5: {  	_ =	strace $0x9000004E  }
0xb6: {  	_ =	sfence  }
0xb7: {  	s30 =	sld [smem:$0x0];
	_ =	sdelay $0x2  }
0xb8: {  	s31 =	sshll.u32 s1, $0xD;
	s1 =	sshrl.u32 s1, $0x2  }
0xb9: {  	s3 =	sand.u32 $0x4000, s31;
	s1 =	sadd.s32 s1, s30  }
0xba: {  	s0 =	sor.u32 s3, s0;
	s1 =	sshll.u32 s1, $0x11  }
0xbb: {  	s0 =	sor.u32 s1, s0  }
0xbc: {  	s0 =	sadd.s32 $0x8F2B, s0  }
0xbd: {  	[sflag:s0] =	ssyncadd.remote.s32 $0x1  }
0xbe: {  	_ =	sfence.sel $0xFFFF  }
0xbf: {  	[dreg:$0x0] =	wrdreg $0xFFFFFFFF;
	(pc) =	sbr.abs _section_cstart, $3  }
0xc0: {  	[dreg:$0x1] =	wrdreg $0xFFFFFFFF  }
0xc1: {  	_ =	task.clear_ibuf [dreg:s6], $0x2FFFF;
	_ =	strace $0x9FFFFFFF  }
0xc2: {  	(tm) =	ssettm $0x7FFFFFFF  }
0xc3: {  	_ =	shalt  }
tec
execute0_lowered:
.L_overlay_start_1:
0x0: {  	(tag) =	ssettag $0x1  }
0x1: {  	s0 =	srdreg.scid;
	s6 =	rddreg [dreg:$0x0]  }
0x2: {  	s2 =	rddreg [dreg:$0x1];
	s3 =	simm.s32 $0x0;
	s14 =	simm.s32 $0x7D  }
0x3: {  	s15 =	simm.s32 $0x5000;
	s16 =	simm.s32 $0x5080;
	s17 =	simm.s32 $0x1  }
0x4: {  	s18 =	simm.s32 $0x2;
	s19 =	simm.s32 $0x2780;
	s20 =	simm.s32 $0x4F00  }
0x5: {  	s21 =	simm.s32 $0x4F80;
	s5 =	sand.u32 $0x1, s0;
	s0 =	stileid.u32  }
0x6: {  	s22 =	simm.s32 $0x0;
	[smem:$0x7FF] =	sst s3;
	s8 =	smul.u32 $0x280, s0  }
0x7: {  	s4 =	sadd.s32 $0x3DE00, s6;
	s1 =	sshll.u32 s5, $0x4;
	s9 =	smul.u32 $0x2800, s5  }
0x8: {  	s5 =	ssub.s32 $0x2, s5;
	s12 =	sshll.u32 s0, $0x6;
	s1 =	sor.u32 s0, s1  }
0x9: {  	s31 =	sshrl.u32 s5, $0x1;
	s12 =	sor.u32 $0x1C03, s12;
	s7 =	smul.u32 $0x500, s1  }
0xa: {  	s1 =	rddreg [dreg:$0x2];
	_ =	strace $0x8000004D;
	s9 =	sadd.s32 s8, s9  }
0xb: {  	s10 =	sshrl.u32 s8, $0x3;
	s11 =	ssub.s32 s5, s31;
	s13 =	sadd.s32 s8, s2  }
0xc: {  	s9 =	sshrl.u32 s9, $0x3;
	s10 =	sadd.s32 s10, s6;
	s7 =	sadd.s32 s7, s6  }
0xd: {  	s13 =	sshrl.u32 s13, $0x3;
	s9 =	sadd.s32 s9, s6;
	s5 =	sadd.s32 $0xBE00, s7  }
0xe: {  	s6 =	sadd.s32 $0x1E00, s7;
	s7 =	sadd.s32 $0x65E00, s10;
	s8 =	sadd.s32 $0x3E400, s9  }
0xf: {  	s9 =	smax.u32 s11, $0x1;
	s10 =	simm.s32 $0x3;
	s11 =	simm.s32 $0x2800  }
.LBB2_1:
0x10: {  	[tilespmem:s3], [sflag:$0x3] =	stream.linear.gather [hbm4b:s5+s3], $0x2800, $0x38;
	[tilespmem:$0x5380] =	vst v63  }
0x11: {  	_ =	swait.ge [sflag:s10], $0x2800  }
0x12: {  	[sflag:s10] =	ssyncset.done $0x0  }
0x13: {  	[sflag:s10] =	ssyncadd.s32 $0xFFFFD800  }
0x14: {  	[tilespmem:s11], [sflag:$0x3] =	stream.linear.gather [hbm4b:s6+s3], $0x2800, $0x38;
	[tilespmem:$0x5380] =	vst v63  }
0x15: {  	_ =	swait.ge [sflag:s10], $0x2800  }
0x16: {  	[sflag:s10] =	ssyncset.done $0x0  }
0x17: {  	[sflag:s10] =	ssyncadd.s32 $0xFFFFD800  }
0x18: {  	[spmem:s13], [sflag:s12] =	dma.local [hbm:s7], $0x50  }
0x19: {  	_ =	swait.ge [sflag:s10], $0x50  }
0x1a: {  	[sflag:s10] =	ssyncset.done $0x0  }
0x1b: {  	[sflag:s10] =	ssyncadd.s32 $0xFFFFFFB0  }
0x1c: {  	[bflag:$0x0] =	sbarrier.arrive $0xFFFF  }
0x1d: {  	[tilespmem:s15], [sflag:$0x1] =	stream.indirect.gather [hbm4b:s4+s14], $0x1, s3, s14, $0xb8;
	[tilespmem:$0x5380] =	vst v63  }
0x1e: {  	s23 =	simm.s32 $0x80  }
0x1f: {  	[tilespmem:s16], [sflag:$0x2] =	stream.indirect.gather [hbm4b:s4+s14], $0x1, s23, s14, $0xb8;
	[tilespmem:$0x5380] =	vst v63  }
0x20: {  	_ =	swait.ge [sflag:s17], $0x7D  }
0x21: {  	[sflag:s17] =	ssyncset.done $0x0  }
0x22: {  	s29 =	simm.s32 $0x2800;
	[sflag:s17] =	ssyncadd.s32 $0xFFFFFF83  }
0x23: {  	[spmem:s2] =	stream.indirect.scatter.add.f32 [tilespmem:s15], [sflag:$0x3], $0x1, s29, s14, $0xb8;
	[tilespmem:$0x5380] =	vst v63  }
0x24: {  	_ =	swait.ge [sflag:s10], $0x7D  }
0x25: {  	[sflag:s10] =	ssyncset.done $0x0  }
0x26: {  	s30 =	simm.s32 $0x100;
	[sflag:s10] =	ssyncadd.s32 $0xFFFFFF83  }
0x27: {  	[tilespmem:s15], [sflag:$0x1] =	stream.indirect.gather [hbm4b:s4+s14], $0x1, s30, s14, $0xb8;
	[tilespmem:$0x5380] =	vst v63  }
0x28: {  	_ =	swait.ge [sflag:s18], $0x7D  }
0x29: {  	[sflag:s18] =	ssyncset.done $0x0  }
0x2a: {  	s31 =	simm.s32 $0x2880;
	[sflag:s18] =	ssyncadd.s32 $0xFFFFFF83  }
0x2b: {  	[spmem:s2] =	stream.indirect.scatter.add.f32 [tilespmem:s16], [sflag:$0x3], $0x1, s31, s14, $0xb8;
	[tilespmem:$0x5380] =	vst v63  }
0x2c: {  	_ =	swait.ge [sflag:s10], $0x7D  }
0x2d: {  	s24 =	simm.s32 $0x800;
	s23 =	simm.s32 $0x100;
	[sflag:s10] =	ssyncset.done $0x0  }
.LBB2_2:
0x2e: {  	s25 =	sadd.s32 $0x80, s23  }
0x2f: {  	[sflag:s10] =	ssyncadd.s32 $0xFFFFFF83;
	s26 =	smov.u32 s24;
	s28 =	sadd.s32 $0x400, s24  }
0x30: {  	[tilespmem:s16], [sflag:$0x2] =	stream.indirect.gather [hbm4b:s4+s14], $0x1, s25, s14, $0xb8;
	[tilespmem:$0x5380] =	vst v63  }
0x31: {  	p0 =	sne.s32 s24, $0x9800;
	_ =	swait.ge [sflag:s17], $0x7D  }
0x32: {  	[sflag:s17] =	ssyncset.done $0x0  }
0x33: {  	s24 =	sadd.s32 $0x2800, s23;
	[sflag:s17] =	ssyncadd.s32 $0xFFFFFF83  }
0x34: {  	[spmem:s2] =	stream.indirect.scatter.add.f32 [tilespmem:s15], [sflag:$0x3], $0x1, s24, s14, $0xb8;
	[tilespmem:$0x5380] =	vst v63  }
0x35: {  	_ =	swait.ge [sflag:s10], $0x7D  }
0x36: {  	[sflag:s10] =	ssyncset.done $0x0  }
0x37: {  	s24 =	sadd.s32 $0x100, s23;
	[sflag:s10] =	ssyncadd.s32 $0xFFFFFF83  }
0x38: {  	[tilespmem:s15], [sflag:$0x1] =	stream.indirect.gather [hbm4b:s4+s14], $0x1, s24, s14, $0xb8;
	[tilespmem:$0x5380] =	vst v63  }
0x39: {  	_ =	swait.ge [sflag:s18], $0x7D  }
.Ltmp0:
0x3a: {  	[sflag:s18] =	ssyncset.done $0x0;
	(pc) =	sbr.rel @p0 .LBB2_2-.Ltmp0, $4  }
0x3b: {  	s23 =	sadd.s32 $0x2880, s23;
	[sflag:s18] =	ssyncadd.s32 $0xFFFFFF83  }
0x3c: {  	[spmem:s2] =	stream.indirect.scatter.add.f32 [tilespmem:s16], [sflag:$0x3], $0x1, s23, s14, $0xb8;
	[tilespmem:$0x5380] =	vst v63  }
0x3d: {  	_ =	swait.ge [sflag:s10], $0x7D  }
0x3e: {  	s24 =	smov.u32 s28;
	s23 =	sshra.s32 s26, $0x2;
	[sflag:s10] =	ssyncset.done $0x0  }
0x3f: {  	s24 =	sadd.s32 $0x80, s23;
	[sflag:s10] =	ssyncadd.s32 $0xFFFFFF83  }
0x40: {  	[tilespmem:s16], [sflag:$0x2] =	stream.indirect.gather [hbm4b:s4+s14], $0x1, s24, s14, $0xb8;
	[tilespmem:$0x5380] =	vst v63  }
0x41: {  	_ =	swait.ge [sflag:s17], $0x7D  }
0x42: {  	[sflag:s17] =	ssyncset.done $0x0  }
0x43: {  	s29 =	sadd.s32 $0x2800, s23;
	[sflag:s17] =	ssyncadd.s32 $0xFFFFFF83  }
0x44: {  	[spmem:s2] =	stream.indirect.scatter.add.f32 [tilespmem:s15], [sflag:$0x3], $0x1, s29, s14, $0xb8;
	[tilespmem:$0x5380] =	vst v63  }
0x45: {  	_ =	swait.ge [sflag:s10], $0x7D  }
0x46: {  	[sflag:s10] =	ssyncset.done $0x0  }
0x47: {  	s30 =	sadd.s32 $0x100, s23;
	[sflag:s10] =	ssyncadd.s32 $0xFFFFFF83  }
0x48: {  	[tilespmem:s15], [sflag:$0x1] =	stream.indirect.gather [hbm4b:s4+s14], $0x1, s30, s14, $0xb8;
	[tilespmem:$0x5380] =	vst v63  }
0x49: {  	_ =	swait.ge [sflag:s18], $0x7D  }
0x4a: {  	[sflag:s18] =	ssyncset.done $0x0  }
0x4b: {  	s31 =	sadd.s32 $0x2880, s23;
	[sflag:s18] =	ssyncadd.s32 $0xFFFFFF83  }
0x4c: {  	[spmem:s2] =	stream.indirect.scatter.add.f32 [tilespmem:s16], [sflag:$0x3], $0x1, s31, s14, $0xb8;
	[tilespmem:$0x5380] =	vst v63  }
0x4d: {  	_ =	swait.ge [sflag:s10], $0x7D  }
0x4e: {  	[sflag:s10] =	ssyncset.done $0x0  }
0x4f: {  	[sflag:s10] =	ssyncadd.s32 $0xFFFFFF83  }
0x50: {  	[tilespmem:s16], [sflag:$0x2] =	stream.indirect.gather [hbm4b:s4+s14], $0x1, s19, s14, $0xb8;
	[tilespmem:$0x5380] =	vst v63  }
0x51: {  	_ =	swait.ge [sflag:s17], $0x7D  }
0x52: {  	[sflag:s17] =	ssyncset.done $0x0  }
0x53: {  	[sflag:s17] =	ssyncadd.s32 $0xFFFFFF83  }
0x54: {  	[spmem:s2] =	stream.indirect.scatter.add.f32 [tilespmem:s15], [sflag:$0x3], $0x1, s20, s14, $0xb8;
	[tilespmem:$0x5380] =	vst v63  }
0x55: {  	_ =	swait.ge [sflag:s10], $0x7D  }
0x56: {  	[sflag:s10] =	ssyncset.done $0x0  }
0x57: {  	[sflag:s10] =	ssyncadd.s32 $0xFFFFFF83  }
0x58: {  	_ =	swait.ge [sflag:s18], $0x7D  }
0x59: {  	[sflag:s18] =	ssyncset.done $0x0  }
0x5a: {  	[sflag:s18] =	ssyncadd.s32 $0xFFFFFF83  }
0x5b: {  	[spmem:s2] =	stream.indirect.scatter.add.f32 [tilespmem:s16], [sflag:$0x3], $0x1, s21, s14, $0xb8;
	[tilespmem:$0x5380] =	vst v63  }
0x5c: {  	_ =	swait.ge [sflag:s10], $0x7D  }
0x5d: {  	s22 =	sadd.s32 $0x1, s22;
	[sflag:s10] =	ssyncset.done $0x0  }
0x5e: {  	p0 =	sne.s32 s22, s9;
	[sflag:s10] =	ssyncadd.s32 $0xFFFFFF83  }
.Ltmp1:
0x5f: {  	[bflag:$0x0] =	sbarrier.arrive $0xFFFF;
	(pc) =	sbr.rel @p0 .LBB2_1-.Ltmp1, $4  }
0x60: {  	[hbm:s8], [sflag:s12] =	dma.local [spmem:s13], $0x50  }
0x61: {  	_ =	swait.ge [sflag:s10], $0x50  }
0x62: {  	[sflag:s10] =	ssyncset.done $0x0  }
0x63: {  	[sflag:s10] =	ssyncadd.s32 $0xFFFFFFB0  }
0x64: {  	_ =	sfence.sel $0x180000  }
0x65: {  	[bflag:$0x0] =	sbarrier.arrive $0xFFFF  }
0x66: {  	p0 =	sne.s32 s0, $0x0;
	_ =	strace $0x9000004D  }
0x67: {  	s0 =	sadd.s32 @!p0 $0x100000, s1;
	[bflag:$0x2] =	sbarrier.arrive $0xFFFF  }
0x68: {  	[sflag:s0] =	ssyncadd.tile.s32 @!p0 $0x1;
	_ =	shalt  }
.Lfunc_end2:
_tile_overlayer_lowered:
.L_overlay_start_2:
0x69: {  	(tag) =	ssettag $0x2  }
0x6a: {  	s0 =	rddreg [dreg:$0x0];
	s2 =	stileid.u32  }
0x6b: {  	s1 =	rddreg [dreg:$0x1];
	p0 =	sne.s32 s2, $0x0  }
0x6c: {  	s3 =	rddreg [dreg:$0x2];
	[bflag:$0x3] =	sbarrier.arrive $0xFFFF;
	s2 =	simm.s32 @!p0 $0x1C03  }
0x6d: {  	[timem:s3], [sflag:s2] =	dma.local @!p0 [hbm:s0], s1  }
0x6e: {  	s0 =	simm.s32 @!p0 $0x3  }
0x6f: {  	_ =	swait.ge @!p0 [sflag:s0], s1  }
0x70: {  	s1 =	ssub.s32 @!p0 $0x0, s1;
	[sflag:s0] =	ssyncset.done @!p0 $0x0  }
0x71: {  	[sflag:s0] =	ssyncadd.s32 @!p0 s1  }
0x72: {  	[bflag:$0x3] =	sbarrier.arrive $0xFFFF  }
0x73: {  	_ =	shalt  }

// kernel: kernel.8.cloned.1.call-start
scs
__scs_entry_jumppad:
0x0: {  	(pc) =	sbr.rel $0x88, $3  }
0x1: {  	(tag) =	ssettag $0x0;
	lr =	simm.s32 $0x1  }
0x2: {  	[smem:$0x3F99] =	sst lr;
	_ =	strace $0xD0000000  }
0x3: {  	_ = 	snop  }
0x4: {  	_ = 	snop  }
0x5: {  	_ = 	snop  }
0x6: {  	_ = 	snop  }
0x7: {  	_ = 	snop  }
__scs_overlays_trampoline_lowered:
0x8: {  	[smem:$0x3FA8] =	sst s0  }
0x9: {  	[smem:$0x3FA9] =	sst s1  }
0xa: {  	[smem:$0x3FAA] =	sst s2  }
0xb: {  	[smem:$0x3FAB] =	sst s3  }
0xc: {  	[smem:$0x3FAC] =	sst s4  }
0xd: {  	[smem:$0x3FAD] =	sst s5  }
0xe: {  	[smem:$0x3FAE] =	sst s6  }
0xf: {  	[smem:$0x3FAF] =	sst s7  }
0x10: {  	[smem:$0x3FB0] =	sst s8  }
0x11: {  	[smem:$0x3FB1] =	sst s9;
	s0 =	simm.s32 @!p0 $0x0  }
0x12: {  	s1 =	sld [smem:$0x3F97];
	s0 =	simm.s32 @p0 $0x1  }
0x13: {  	[smem:$0x3FB2] =	sst s0;
	s0 =	simm.s32 @!p1 $0x0  }
0x14: {  	s2 =	sld [smem:$0x3F96];
	s0 =	simm.s32 @p1 $0x1  }
0x15: {  	[smem:$0x3FB3] =	sst s0;
	s0 =	simm.s32 @!p2 $0x0  }
0x16: {  	s3 =	sld [smem:$0x3FDB];
	s0 =	simm.s32 @p2 $0x1  }
0x17: {  	s4 =	simm.s32 $0x1BF5;
	[smem:$0x3FB5] =	sst s0  }
0x18: {  	s0 =	sld [smem:$0x3F98];
	_ =	swait.ge [sflag:s4], $0x0  }
0x19: {  	s7 =	sld [smem:$0x3F99]  }
0x1a: {  	s8 =	sadd.s32 $0xFFFFE003, lr  }
0x1b: {  	s9 =	sadd.s32 $0xFFFFFEF7, lr;
	s5 =	simm.s32 $0xFFFFFFFF;
	p2 =	slt.u32 s8, $0xFFFFF086  }
0x1c: {  	p1 =	slt.u32 s9, $0xF7A;
	s5 =	simm.s32 @!p2 $0x0  }
0x1d: {  	s5 =	simm.s32 @p1 $0x1;
	p0 =	seq.s32 s7, s2  }
0x1e: {  	s7 =	smul.u32 @!p0 $0xF7A, s2;
	p2 =	seq.s32 @!p0 s5, $0x0  }
0x1f: {  	s9 =	smul.u32 $0xF7A, s1;
	s8 =	simm.s32 @!p0 $0x1BF5;
	p2 =	por !p2, p0  }
0x20: {  	[sflag:s8] =	ssyncset.s32 @!p0 $0xFFFFF086;
	s6 =	sadd.s32 @!p0 s3, s7;
	s7 =	simm.s32 @!p0 $0x108  }
0x21: {  	s3 =	sadd.s32 s3, s9;
	s6 =	sadd.s32 @!p0 $0x88, s6;
	s7 =	simm.s32 @p2 $0x1082  }
0x22: {  	[simem:s7], [sflag:s8] =	dma.local @!p0 [hbm:s6], $0xF7A  }
0x23: {  	s9 =	sor.u32 $0xD0000000, s2;
	s6 =	simm.s32 $0x108;
	_ =	swait.ge @!p0 [sflag:s8], $0x0  }
0x24: {  	s3 =	sadd.s32 $0x88, s3;
	s6 =	simm.s32 @!p1 $0x1082;
	[sflag:s4] =	ssyncset.s32 $0xFFFFF086  }
0x25: {  	[simem:s6], [sflag:s4] =	dma.local [hbm:s3], $0xF7A  }
0x26: {  	[smem:$0x3F99] =	sst s1;
	(tag) =	ssettag s2;
	_ =	strace s9  }
0x27: {  	s1 =	sld [smem:$0x3FA9]  }
0x28: {  	s2 =	sld [smem:$0x3FAA]  }
0x29: {  	s4 =	sld [smem:$0x3FAC]  }
0x2a: {  	p0 =	seq.s32 s5, $0x0;
	s5 =	sld [smem:$0x3FAD]  }
0x2b: {  	s6 =	sld [smem:$0x3FAE]  }
0x2c: {  	s7 =	sld [smem:$0x3FAF]  }
0x2d: {  	s3 =	simm.s32 $0x108;
	s8 =	sld [smem:$0x3FB0]  }
0x2e: {  	s3 =	simm.s32 @!p0 $0x1082;
	s9 =	sld [smem:$0x3FB1]  }
0x2f: {  	lr =	sadd.s32 s0, s3;
	s0 =	sld [smem:$0x3FA8]  }
0x30: {  	s3 =	sld [smem:$0x3FAB]  }
0x31: {  	[smem:$0x3FB4] =	sst s10  }
0x32: {  	s10 =	sld [smem:$0x3FB2];
	_ =	sdelay $0x3  }
0x33: {  	p0 =	seq.s32 s10, $0x1;
	s10 =	sld [smem:$0x3FB4];
	_ =	sdelay $0x3  }
0x34: {  	[smem:$0x3FB4] =	sst s10  }
0x35: {  	s10 =	sld [smem:$0x3FB3];
	_ =	sdelay $0x3  }
0x36: {  	p1 =	seq.s32 s10, $0x1;
	s10 =	sld [smem:$0x3FB4];
	_ =	sdelay $0x3  }
0x37: {  	[smem:$0x3FB4] =	sst s10  }
0x38: {  	s10 =	sld [smem:$0x3FB5]  }
0x39: {  	_ = 	snop;
	(pc) =	sbr.ind lr, $3  }
0x3a: {  	_ = 	snop  }
0x3b: {  	_ = 	snop  }
0x3c: {  	p2 =	seq.s32 s10, $0x1;
	s10 =	sld [smem:$0x3FB4]  }
0x3d: {  	_ =	shalt  }
0x3e: {  	_ =	shalt  }
0x3f: {  	_ =	shalt  }
0x40: {  	_ =	shalt  }
0x41: {  	_ =	shalt  }
0x42: {  	_ =	shalt  }
0x43: {  	_ =	shalt  }
0x44: {  	_ =	shalt  }
0x45: {  	_ =	shalt  }
0x46: {  	_ =	shalt  }
0x47: {  	_ =	shalt  }
0x48: {  	_ =	shalt  }
0x49: {  	_ =	shalt  }
0x4a: {  	_ =	shalt  }
0x4b: {  	_ =	shalt  }
0x4c: {  	_ =	shalt  }
0x4d: {  	_ =	shalt  }
0x4e: {  	_ =	shalt  }
0x4f: {  	_ =	shalt  }
0x50: {  	_ =	shalt  }
0x51: {  	_ =	shalt  }
0x52: {  	_ =	shalt  }
0x53: {  	_ =	shalt  }
0x54: {  	_ =	shalt  }
0x55: {  	_ =	shalt  }
0x56: {  	_ =	shalt  }
0x57: {  	_ =	shalt  }
0x58: {  	_ =	shalt  }
0x59: {  	_ =	shalt  }
0x5a: {  	_ =	shalt  }
0x5b: {  	_ =	shalt  }
0x5c: {  	_ =	shalt  }
0x5d: {  	_ =	shalt  }
0x5e: {  	_ =	shalt  }
0x5f: {  	_ =	shalt  }
0x60: {  	_ =	shalt  }
0x61: {  	_ =	shalt  }
0x62: {  	_ =	shalt  }
0x63: {  	_ =	shalt  }
0x64: {  	_ =	shalt  }
0x65: {  	_ =	shalt  }
0x66: {  	_ =	shalt  }
0x67: {  	_ =	shalt  }
0x68: {  	_ =	shalt  }
0x69: {  	_ =	shalt  }
0x6a: {  	_ =	shalt  }
0x6b: {  	_ =	shalt  }
0x6c: {  	_ =	shalt  }
0x6d: {  	_ =	shalt  }
0x6e: {  	_ =	shalt  }
0x6f: {  	_ =	shalt  }
0x70: {  	_ =	shalt  }
0x71: {  	_ =	shalt  }
0x72: {  	_ =	shalt  }
0x73: {  	_ =	shalt  }
0x74: {  	_ =	shalt  }
0x75: {  	_ =	shalt  }
0x76: {  	_ =	shalt  }
0x77: {  	_ =	shalt  }
0x78: {  	_ =	shalt  }
0x79: {  	_ =	shalt  }
0x7a: {  	_ =	shalt  }
0x7b: {  	_ =	shalt  }
0x7c: {  	_ =	shalt  }
0x7d: {  	_ =	shalt  }
0x7e: {  	_ =	shalt  }
0x7f: {  	_ =	shalt  }
0x80: {  	_ =	shalt  }
0x81: {  	_ =	shalt  }
0x82: {  	_ =	shalt  }
0x83: {  	_ =	shalt  }
0x84: {  	_ =	shalt  }
0x85: {  	_ =	shalt  }
0x86: {  	_ =	shalt  }
0x87: {  	_ =	shalt  }
.Lfunc_end0:
.L_simem_size_0:
called_computation_lowered:
.L_overlay_start_0:
0x88: {  	s2 =	sld [smem:$0x3FD9]  }
0x89: {  	s3 =	sld [smem:$0x3FFE];
	_ =	sdelay $0x1  }
0x8a: {  	s1 =	srdreg.scid  }
0x8b: {  	s0 =	sand.u32 $0x1, s1  }
0x8c: {  	s17 =	sshll.u32 s0, $0xA;
	s2 =	sadd.s32 s3, s2  }
0x8d: {  	s2 =	sadd.s32 s2, s17  }
0x8e: {  	[smem:$0x3FC0] =	sst s2  }
0x8f: {  	_ = 	snop  }
0x90: {  	s18 =	sld [smem:$0x3FD0];
	(tm) =	ssettm $0x1  }
0x91: {  	s19 =	sld [smem:$0x3FFB];
	_ =	sdelay $0x3  }
0x92: {  	_ =	strace s19  }
0x93: {  	s2 =	sld [smem:$0x3FFC];
	_ =	sdelay $0x3  }
0x94: {  	_ =	strace s2  }
0x95: {  	s2 =	sld [smem:$0x3FFD];
	_ =	sdelay $0x3  }
0x96: {  	_ =	strace s2  }
0x97: {  	_ =	strace $0x8FFFFFFF  }
0x98: {  	s20 =	sld [smem:$0x3FDB];
	_ =	sdelay $0x1  }
0x99: {  	s4 =	simm.s32 $_scs_section_size  }
0x9a: {  	s5 =	simm.s32 $_size__tile_overlayer_lowered;
	s6 =	simm.s32 $_tile_overlayer_lowered  }
0x9b: {  	s7 =	simm.s32 $0x1BFF;
	s21 =	sshll.u32 s6, $0x1;
	s4 =	sadd.s32 s4, s20  }
0x9c: {  	s22 =	simm.s32 $0x0;
	s5 =	sshll.u32 s5, $0x1;
	s6 =	sadd.s32 s21, s4  }
0x9d: {  	[timem:s22], [sflag:s7] =	dma.local [hbm:s6], s5  }
0x9e: {  	_ =	swait.ge [sflag:s7], s5  }
0x9f: {  	s5 =	ssub.s32 $0x0, s5;
	[sflag:s7] =	ssyncset.done $0x0  }
0xa0: {  	[sflag:s7] =	ssyncadd.s32 s5;
	_ =	sdelay $0x1  }
0xa1: {  	s23 =	simm.s32 $0x1B8B  }
0xa2: {  	_ =	swait.ge [sflag:s23], $0x1  }
0xa3: {  	[sflag:s23] =	ssyncset.done $0x0  }
0xa4: {  	[sflag:s23] =	ssyncadd.s32 $0xFFFFFFFF  }
0xa5: {  	s5 =	sld [smem:$0x0]  }
0xa6: {  	s6 =	sand.u32 $0xFFFFFFFE, s1  }
0xa7: {  	p0 =	sne.s32 s1, s6  }
0xa8: {  	s6 =	sshll.u32 @p0 s6, $0xE  }
0xa9: {  	s6 =	sadd.s32 @p0 $0x11B8D, s6;
	s7 =	sshll.u32 @p0 s5, $0x11  }
0xaa: {  	s6 =	sor.u32 @p0 s7, s6  }
0xab: {  	[sflag:s6] =	ssyncadd.remote.s32 @p0 $0x1;
	_ =	sdelay $0x1  }
0xac: {  	s6 =	simm.s32 @p0 $0x1B8D  }
0xad: {  	_ =	swait.eq @p0 [sflag:s6], $0x1  }
0xae: {  	[sflag:s6] =	ssyncadd.s32 @p0 $0xFFFFFFFF  }
0xaf: {  	s7 =	sshll.u32 @!p0 s1, $0xE  }
0xb0: {  	s7 =	sor.u32 @!p0 $0x4000, s7;
	s6 =	simm.s32 @!p0 $0x1B8D  }
0xb1: {  	s5 =	sshll.u32 @!p0 s5, $0x11;
	s7 =	sadd.s32 @!p0 $0x11B8D, s7;
	_ =	swait.eq @!p0 [sflag:s6], $0x1  }
0xb2: {  	s5 =	sor.u32 @!p0 s5, s7;
	[sflag:s6] =	ssyncadd.s32 @!p0 $0xFFFFFFFF  }
0xb3: {  	s25 =	simm.s32 $0x1B8E;
	s24 =	sld [smem:$0x3FFE];
	[sflag:s5] =	ssyncadd.remote.s32 @!p0 $0x1  }
0xb4: {  	s26 =	simm.s32 $execute0_lowered;
	[smem:$0x3FD2] =	sst s25  }
0xb5: {  	s6 =	sshll.u32 s26, $0x1;
	_ =	strace $0x80000049;
	[dreg:$0x1] =	wrdreg $0xFFFFFFFF  }
0xb6: {  	s28 =	simm.s32 $_size_execute0_lowered;
	s4 =	sadd.s32 s4, s6;
	[dreg:$0x0] =	wrdreg $0x0  }
0xb7: {  	s6 =	sshll.u32 s28, $0x1;
	[dreg:$0x2] =	wrdreg s4  }
0xb8: {  	[dreg:$0x3] =	wrdreg s6  }
0xb9: {  	[dreg:$0x4] =	wrdreg $0xC0  }
0xba: {  	_ =	task [dreg:s22], $0x5FFFF  }
0xbb: {  	[dreg:$0x1] =	wrdreg $0xFFFFFFFF  }
0xbc: {  	[dreg:$0x0] =	wrdreg $0x60  }
0xbd: {  	[dreg:$0x2] =	wrdreg s18  }
0xbe: {  	[dreg:$0x3] =	wrdreg s24  }
0xbf: {  	[dreg:$0x4] =	wrdreg $0x28800  }
0xc0: {  	[dreg:$0x5] =	wrdreg $0x9  }
0xc1: {  	_ =	task.clear_ibuf [dreg:s22], $0x6FFFF;
	_ =	strace $0x90000049  }
0xc2: {  	s29 =	simm.s32 $0x9;
	_ =	strace $0x8000004B  }
0xc3: {  	_ =	swait.ge [sflag:s29], $0x1  }
0xc4: {  	[sflag:s29] =	ssyncadd.s32 $0xFFFFFFFF  }
0xc5: {  	_ =	strace $0x9000004B  }
0xc6: {  	_ =	sfence  }
0xc7: {  	s30 =	sld [smem:$0x0];
	_ =	sdelay $0x2  }
0xc8: {  	s31 =	sshll.u32 s1, $0xD;
	s1 =	sshrl.u32 s1, $0x2  }
0xc9: {  	s4 =	sand.u32 $0x4000, s31;
	s1 =	sadd.s32 s1, s30  }
0xca: {  	s0 =	sor.u32 s4, s0;
	s1 =	sshll.u32 s1, $0x11  }
0xcb: {  	s0 =	sor.u32 s1, s0  }
0xcc: {  	s0 =	sadd.s32 $0x8F2B, s0  }
0xcd: {  	[sflag:s0] =	ssyncadd.remote.s32 $0x1  }
0xce: {  	_ =	sfence.sel $0xFFFF  }
0xcf: {  	[dreg:$0x0] =	wrdreg $0xFFFFFFFF;
	(pc) =	sbr.abs _section_cstart, $3  }
0xd0: {  	[dreg:$0x1] =	wrdreg $0xFFFFFFFF  }
0xd1: {  	_ =	task.clear_ibuf [dreg:s22], $0x2FFFF;
	_ =	strace $0x9FFFFFFF  }
0xd2: {  	(tm) =	ssettm $0x7FFFFFFF  }
0xd3: {  	_ =	shalt  }
tec
execute0_lowered:
.L_overlay_start_1:
0x0: {  	(tag) =	ssettag $0x1  }
0x1: {  	s1 =	rddreg [dreg:$0x0]  }
0x2: {  	s6 =	rddreg [dreg:$0x1]  }
0x3: {  	s0 =	srdreg.scid;
	s3 =	rddreg [dreg:$0x2]  }
0x4: {  	s4 =	simm.s32 $0x0;
	s13 =	simm.s32 $0x7D;
	s14 =	simm.s32 $0x1  }
0x5: {  	s15 =	simm.s32 $0x0;
	s5 =	sand.u32 $0x1, s0;
	s0 =	stileid.u32  }
0x6: {  	[smem:$0x7FF] =	sst s4;
	s2 =	sshll.u32 s5, $0x4;
	s8 =	smul.u32 $0x280, s0  }
0x7: {  	s9 =	smul.u32 $0x2800, s5;
	s5 =	ssub.s32 $0x2, s5;
	s2 =	sor.u32 s0, s2  }
0x8: {  	s31 =	sshll.u32 s0, $0x6;
	s11 =	sshrl.u32 s5, $0x1;
	s7 =	smul.u32 $0x500, s2  }
0x9: {  	s2 =	rddreg [dreg:$0x3];
	_ =	strace $0x8000004A;
	s10 =	sshrl.u32 s8, $0x3  }
0xa: {  	s9 =	sadd.s32 s8, s9;
	s11 =	ssub.s32 s5, s11;
	s12 =	sadd.s32 s8, s3  }
0xb: {  	s10 =	sadd.s32 s10, s6;
	s9 =	sshrl.u32 s9, $0x3;
	s8 =	smax.u32 s11, $0x1  }
0xc: {  	s11 =	sor.u32 $0x1C02, s31;
	s12 =	sshrl.u32 s12, $0x3;
	s7 =	sadd.s32 s7, s6  }
0xd: {  	s9 =	sadd.s32 s9, s6;
	s6 =	sadd.s32 $0x65E00, s10;
	s10 =	simm.s32 $0x2  }
0xe: {  	s5 =	sadd.s32 $0x1E00, s7;
	s7 =	sadd.s32 $0x66400, s9;
	s9 =	simm.s32 $0x2800  }
.LBB2_1:
0xf: {  	[tilespmem:s9], [sflag:$0x2] =	stream.linear.gather [hbm4b:s1+s4], $0x80, $0x38;
	[tilespmem:$0x2B00] =	vst v63  }
0x10: {  	_ =	swait.ge [sflag:s10], $0x80  }
0x11: {  	[sflag:s10] =	ssyncset.done $0x0  }
0x12: {  	[sflag:s10] =	ssyncadd.s32 $0xFFFFFF80  }
0x13: {  	[tilespmem:s4], [sflag:$0x2] =	stream.linear.gather [hbm4b:s5+s4], $0x2800, $0x38;
	[tilespmem:$0x2B00] =	vst v63  }
0x14: {  	_ =	swait.ge [sflag:s10], $0x2800  }
0x15: {  	[sflag:s10] =	ssyncset.done $0x0  }
0x16: {  	[sflag:s10] =	ssyncadd.s32 $0xFFFFD800  }
0x17: {  	[spmem:s12], [sflag:s11] =	dma.local [hbm:s6], $0x50  }
0x18: {  	_ =	swait.ge [sflag:s10], $0x50  }
0x19: {  	[sflag:s10] =	ssyncset.done $0x0  }
0x1a: {  	[sflag:s10] =	ssyncadd.s32 $0xFFFFFFB0  }
0x1b: {  	s16 =	simm.s32 $0x0;
	[bflag:$0x0] =	sbarrier.arrive $0xFFFF  }
0x1c: {  	[spmem:s3] =	stream.indirect.scatter.add.f32 [tilespmem:s9], [sflag:$0x1], $0x1, s16, s13, $0xb8;
	[tilespmem:$0x2B00] =	vst v63  }
0x1d: {  	s24 =	simm.s32 $0x80  }
0x1e: {  	[spmem:s3] =	stream.indirect.scatter.add.f32 [tilespmem:s9], [sflag:$0x1], $0x1, s24, s13, $0xb8;
	[tilespmem:$0x2B00] =	vst v63  }
0x1f: {  	s25 =	simm.s32 $0x100  }
0x20: {  	[spmem:s3] =	stream.indirect.scatter.add.f32 [tilespmem:s9], [sflag:$0x1], $0x1, s25, s13, $0xb8;
	[tilespmem:$0x2B00] =	vst v63  }
0x21: {  	s26 =	simm.s32 $0x180  }
0x22: {  	[spmem:s3] =	stream.indirect.scatter.add.f32 [tilespmem:s9], [sflag:$0x1], $0x1, s26, s13, $0xb8;
	[tilespmem:$0x2B00] =	vst v63  }
0x23: {  	s28 =	simm.s32 $0x200  }
0x24: {  	[spmem:s3] =	stream.indirect.scatter.add.f32 [tilespmem:s9], [sflag:$0x1], $0x1, s28, s13, $0xb8;
	[tilespmem:$0x2B00] =	vst v63  }
0x25: {  	s29 =	simm.s32 $0x280  }
0x26: {  	[spmem:s3] =	stream.indirect.scatter.add.f32 [tilespmem:s9], [sflag:$0x1], $0x1, s29, s13, $0xb8;
	[tilespmem:$0x2B00] =	vst v63  }
0x27: {  	s30 =	simm.s32 $0x300  }
0x28: {  	[spmem:s3] =	stream.indirect.scatter.add.f32 [tilespmem:s9], [sflag:$0x1], $0x1, s30, s13, $0xb8;
	[tilespmem:$0x2B00] =	vst v63  }
0x29: {  	s31 =	simm.s32 $0x380  }
0x2a: {  	[spmem:s3] =	stream.indirect.scatter.add.f32 [tilespmem:s9], [sflag:$0x1], $0x1, s31, s13, $0xb8;
	[tilespmem:$0x2B00] =	vst v63  }
0x2b: {  	_ =	swait.ge [sflag:s14], $0x7D  }
0x2c: {  	[sflag:s14] =	ssyncset.done $0x0  }
0x2d: {  	[sflag:s14] =	ssyncadd.s32 $0xFFFFFF83  }
0x2e: {  	_ =	swait.ge [sflag:s14], $0x7D  }
0x2f: {  	[sflag:s14] =	ssyncset.done $0x0  }
0x30: {  	[sflag:s14] =	ssyncadd.s32 $0xFFFFFF83  }
0x31: {  	_ =	swait.ge [sflag:s14], $0x7D  }
0x32: {  	[sflag:s14] =	ssyncset.done $0x0  }
0x33: {  	[sflag:s14] =	ssyncadd.s32 $0xFFFFFF83  }
0x34: {  	_ =	swait.ge [sflag:s14], $0x7D  }
0x35: {  	[sflag:s14] =	ssyncset.done $0x0  }
0x36: {  	[sflag:s14] =	ssyncadd.s32 $0xFFFFFF83  }
0x37: {  	_ =	swait.ge [sflag:s14], $0x7D  }
0x38: {  	[sflag:s14] =	ssyncset.done $0x0  }
0x39: {  	[sflag:s14] =	ssyncadd.s32 $0xFFFFFF83  }
0x3a: {  	_ =	swait.ge [sflag:s14], $0x7D  }
0x3b: {  	[sflag:s14] =	ssyncset.done $0x0  }
0x3c: {  	[sflag:s14] =	ssyncadd.s32 $0xFFFFFF83  }
0x3d: {  	_ =	swait.ge [sflag:s14], $0x7D  }
0x3e: {  	[sflag:s14] =	ssyncset.done $0x0  }
0x3f: {  	[sflag:s14] =	ssyncadd.s32 $0xFFFFFF83  }
0x40: {  	_ =	swait.ge [sflag:s14], $0x7D  }
0x41: {  	s18 =	simm.s32 $0x2000;
	s16 =	simm.s32 $0x1000;
	[sflag:s14] =	ssyncset.done $0x0  }
.LBB2_2:
0x42: {  	s19 =	sshra.s32 s16, $0x2  }
0x43: {  	[sflag:s14] =	ssyncadd.s32 $0xFFFFFF83;
	s16 =	smov.u32 s18;
	s17 =	sadd.s32 $0x1000, s18  }
0x44: {  	[spmem:s3] =	stream.indirect.scatter.add.f32 [tilespmem:s9], [sflag:$0x1], $0x1, s19, s13, $0xb8;
	[tilespmem:$0x2B00] =	vst v63  }
0x45: {  	p0 =	sne.s32 s18, $0x9000;
	s18 =	sadd.s32 $0x80, s19  }
0x46: {  	[spmem:s3] =	stream.indirect.scatter.add.f32 [tilespmem:s9], [sflag:$0x1], $0x1, s18, s13, $0xb8;
	[tilespmem:$0x2B00] =	vst v63  }
0x47: {  	s18 =	sadd.s32 $0x100, s19  }
0x48: {  	[spmem:s3] =	stream.indirect.scatter.add.f32 [tilespmem:s9], [sflag:$0x1], $0x1, s18, s13, $0xb8;
	[tilespmem:$0x2B00] =	vst v63  }
0x49: {  	s18 =	sadd.s32 $0x180, s19  }
0x4a: {  	[spmem:s3] =	stream.indirect.scatter.add.f32 [tilespmem:s9], [sflag:$0x1], $0x1, s18, s13, $0xb8;
	[tilespmem:$0x2B00] =	vst v63  }
0x4b: {  	s18 =	sadd.s32 $0x200, s19  }
0x4c: {  	[spmem:s3] =	stream.indirect.scatter.add.f32 [tilespmem:s9], [sflag:$0x1], $0x1, s18, s13, $0xb8;
	[tilespmem:$0x2B00] =	vst v63  }
0x4d: {  	s18 =	sadd.s32 $0x280, s19  }
0x4e: {  	[spmem:s3] =	stream.indirect.scatter.add.f32 [tilespmem:s9], [sflag:$0x1], $0x1, s18, s13, $0xb8;
	[tilespmem:$0x2B00] =	vst v63  }
0x4f: {  	s18 =	sadd.s32 $0x300, s19  }
0x50: {  	[spmem:s3] =	stream.indirect.scatter.add.f32 [tilespmem:s9], [sflag:$0x1], $0x1, s18, s13, $0xb8;
	[tilespmem:$0x2B00] =	vst v63  }
0x51: {  	s18 =	sadd.s32 $0x380, s19  }
0x52: {  	[spmem:s3] =	stream.indirect.scatter.add.f32 [tilespmem:s9], [sflag:$0x1], $0x1, s18, s13, $0xb8;
	[tilespmem:$0x2B00] =	vst v63  }
0x53: {  	_ =	swait.ge [sflag:s14], $0x7D  }
0x54: {  	[sflag:s14] =	ssyncset.done $0x0  }
0x55: {  	[sflag:s14] =	ssyncadd.s32 $0xFFFFFF83  }
0x56: {  	_ =	swait.ge [sflag:s14], $0x7D  }
0x57: {  	[sflag:s14] =	ssyncset.done $0x0  }
0x58: {  	[sflag:s14] =	ssyncadd.s32 $0xFFFFFF83  }
0x59: {  	_ =	swait.ge [sflag:s14], $0x7D  }
0x5a: {  	[sflag:s14] =	ssyncset.done $0x0  }
0x5b: {  	[sflag:s14] =	ssyncadd.s32 $0xFFFFFF83  }
0x5c: {  	_ =	swait.ge [sflag:s14], $0x7D  }
0x5d: {  	[sflag:s14] =	ssyncset.done $0x0  }
0x5e: {  	[sflag:s14] =	ssyncadd.s32 $0xFFFFFF83  }
0x5f: {  	_ =	swait.ge [sflag:s14], $0x7D  }
0x60: {  	[sflag:s14] =	ssyncset.done $0x0  }
0x61: {  	[sflag:s14] =	ssyncadd.s32 $0xFFFFFF83  }
0x62: {  	_ =	swait.ge [sflag:s14], $0x7D  }
0x63: {  	[sflag:s14] =	ssyncset.done $0x0  }
0x64: {  	[sflag:s14] =	ssyncadd.s32 $0xFFFFFF83  }
.Ltmp0:
0x65: {  	_ =	swait.ge [sflag:s14], $0x7D;
	(pc) =	sbr.rel @p0 .LBB2_2-.Ltmp0, $4  }
0x66: {  	[sflag:s14] =	ssyncset.done $0x0  }
0x67: {  	[sflag:s14] =	ssyncadd.s32 $0xFFFFFF83  }
0x68: {  	_ =	swait.ge [sflag:s14], $0x7D  }
0x69: {  	s18 =	smov.u32 s17;
	[sflag:s14] =	ssyncset.done $0x0  }
0x6a: {  	s16 =	sshra.s32 s16, $0x2;
	[sflag:s14] =	ssyncadd.s32 $0xFFFFFF83  }
0x6b: {  	[spmem:s3] =	stream.indirect.scatter.add.f32 [tilespmem:s9], [sflag:$0x1], $0x1, s16, s13, $0xb8;
	[tilespmem:$0x2B00] =	vst v63  }
0x6c: {  	s17 =	sadd.s32 $0x80, s16  }
0x6d: {  	[spmem:s3] =	stream.indirect.scatter.add.f32 [tilespmem:s9], [sflag:$0x1], $0x1, s17, s13, $0xb8;
	[tilespmem:$0x2B00] =	vst v63  }
0x6e: {  	s26 =	sadd.s32 $0x100, s16  }
0x6f: {  	[spmem:s3] =	stream.indirect.scatter.add.f32 [tilespmem:s9], [sflag:$0x1], $0x1, s26, s13, $0xb8;
	[tilespmem:$0x2B00] =	vst v63  }
0x70: {  	s28 =	sadd.s32 $0x180, s16  }
0x71: {  	[spmem:s3] =	stream.indirect.scatter.add.f32 [tilespmem:s9], [sflag:$0x1], $0x1, s28, s13, $0xb8;
	[tilespmem:$0x2B00] =	vst v63  }
0x72: {  	s29 =	sadd.s32 $0x200, s16  }
0x73: {  	[spmem:s3] =	stream.indirect.scatter.add.f32 [tilespmem:s9], [sflag:$0x1], $0x1, s29, s13, $0xb8;
	[tilespmem:$0x2B00] =	vst v63  }
0x74: {  	s30 =	sadd.s32 $0x280, s16  }
0x75: {  	[spmem:s3] =	stream.indirect.scatter.add.f32 [tilespmem:s9], [sflag:$0x1], $0x1, s30, s13, $0xb8;
	[tilespmem:$0x2B00] =	vst v63  }
0x76: {  	s31 =	sadd.s32 $0x300, s16  }
0x77: {  	[spmem:s3] =	stream.indirect.scatter.add.f32 [tilespmem:s9], [sflag:$0x1], $0x1, s31, s13, $0xb8;
	[tilespmem:$0x2B00] =	vst v63  }
0x78: {  	s16 =	sadd.s32 $0x380, s16  }
0x79: {  	[spmem:s3] =	stream.indirect.scatter.add.f32 [tilespmem:s9], [sflag:$0x1], $0x1, s16, s13, $0xb8;
	[tilespmem:$0x2B00] =	vst v63  }
0x7a: {  	_ =	swait.ge [sflag:s14], $0x7D  }
0x7b: {  	[sflag:s14] =	ssyncset.done $0x0  }
0x7c: {  	[sflag:s14] =	ssyncadd.s32 $0xFFFFFF83  }
0x7d: {  	_ =	swait.ge [sflag:s14], $0x7D  }
0x7e: {  	[sflag:s14] =	ssyncset.done $0x0  }
0x7f: {  	[sflag:s14] =	ssyncadd.s32 $0xFFFFFF83  }
0x80: {  	_ =	swait.ge [sflag:s14], $0x7D  }
0x81: {  	[sflag:s14] =	ssyncset.done $0x0  }
0x82: {  	[sflag:s14] =	ssyncadd.s32 $0xFFFFFF83  }
0x83: {  	_ =	swait.ge [sflag:s14], $0x7D  }
0x84: {  	[sflag:s14] =	ssyncset.done $0x0  }
0x85: {  	[sflag:s14] =	ssyncadd.s32 $0xFFFFFF83  }
0x86: {  	_ =	swait.ge [sflag:s14], $0x7D  }
0x87: {  	[sflag:s14] =	ssyncset.done $0x0  }
0x88: {  	[sflag:s14] =	ssyncadd.s32 $0xFFFFFF83  }
0x89: {  	_ =	swait.ge [sflag:s14], $0x7D  }
0x8a: {  	[sflag:s14] =	ssyncset.done $0x0  }
0x8b: {  	[sflag:s14] =	ssyncadd.s32 $0xFFFFFF83  }
0x8c: {  	_ =	swait.ge [sflag:s14], $0x7D  }
0x8d: {  	[sflag:s14] =	ssyncset.done $0x0  }
0x8e: {  	[sflag:s14] =	ssyncadd.s32 $0xFFFFFF83  }
0x8f: {  	_ =	swait.ge [sflag:s14], $0x7D  }
0x90: {  	s15 =	sadd.s32 $0x1, s15;
	[sflag:s14] =	ssyncset.done $0x0  }
0x91: {  	p0 =	sne.s32 s15, s8;
	[sflag:s14] =	ssyncadd.s32 $0xFFFFFF83  }
.Ltmp1:
0x92: {  	[bflag:$0x0] =	sbarrier.arrive $0xFFFF;
	(pc) =	sbr.rel @p0 .LBB2_1-.Ltmp1, $4  }
0x93: {  	[hbm:s7], [sflag:s11] =	dma.local [spmem:s12], $0x50  }
0x94: {  	_ =	swait.ge [sflag:s10], $0x50  }
0x95: {  	[sflag:s10] =	ssyncset.done $0x0  }
0x96: {  	[sflag:s10] =	ssyncadd.s32 $0xFFFFFFB0  }
0x97: {  	_ =	sfence.sel $0x180000  }
0x98: {  	[bflag:$0x0] =	sbarrier.arrive $0xFFFF  }
0x99: {  	p0 =	sne.s32 s0, $0x0;
	_ =	strace $0x9000004A  }
0x9a: {  	s0 =	sadd.s32 @!p0 $0x100000, s2;
	[bflag:$0x2] =	sbarrier.arrive $0xFFFF  }
0x9b: {  	[sflag:s0] =	ssyncadd.tile.s32 @!p0 $0x1;
	_ =	shalt  }
.Lfunc_end2:
_tile_overlayer_lowered:
.L_overlay_start_2:
0x9c: {  	(tag) =	ssettag $0x2  }
0x9d: {  	s0 =	rddreg [dreg:$0x0];
	s2 =	stileid.u32  }
0x9e: {  	s1 =	rddreg [dreg:$0x1];
	p0 =	sne.s32 s2, $0x0  }
0x9f: {  	s3 =	rddreg [dreg:$0x2];
	[bflag:$0x3] =	sbarrier.arrive $0xFFFF;
	s2 =	simm.s32 @!p0 $0x1C02  }
0xa0: {  	[timem:s3], [sflag:s2] =	dma.local @!p0 [hbm:s0], s1  }
0xa1: {  	s0 =	simm.s32 @!p0 $0x2  }
0xa2: {  	_ =	swait.ge @!p0 [sflag:s0], s1  }
0xa3: {  	s1 =	ssub.s32 @!p0 $0x0, s1;
	[sflag:s0] =	ssyncset.done @!p0 $0x0  }
0xa4: {  	[sflag:s0] =	ssyncadd.s32 @!p0 s1  }
0xa5: {  	[bflag:$0x3] =	sbarrier.arrive $0xFFFF  }
0xa6: {  	_ =	shalt  }

</sc_bundles>
